<compile_context>
chip_gen: v7x
topology: tpu7x:2x2x1
jax: 0.10.2.dev20260603
libtpu: 0.0.44.dev20260713+nightly
codegen_flags: <defaults>
</compile_context>

<pallas_src>
import functools

import jax
import jax.numpy as jnp
from jax import lax
from jax.experimental import pallas as pl
from jax.experimental.pallas import tpu as pltpu
from jax.experimental.pallas import tpu_sc as plsc

N_WIDTH = 32
N_NODES = 193
N_SAMPLES = 2048
N_ELEMENTS = 64
L = 16
NC, NS = 2, 16
NW = NC * NS
SPW = N_SAMPLES // NW
G = SPW // L

_C0 = (-0.5625, 0.5625, 0.0625, -0.0625)
_C1 = (1.6875, -0.5625, -1.6875, 0.5625)
_C2 = (-1.6875, -0.5625, 1.6875, 0.5625)
_C3 = (0.5625, 0.5625, -0.0625, -0.0625)


def _basis4(t):
    ps = []
    for a3, a2, a1, a0 in (_C0, _C1, _C2, _C3):
        ps.append(((a3 * t + a2) * t + a1) * t + a0)
    return ps


def _elem(xv):
    xs = xv * 192.0
    e = jnp.clip((xs * (1.0 / 3.0)).astype(jnp.int32), 0, N_ELEMENTS - 1)
    b = e * 3
    t = (xs - (b.astype(jnp.float32) + 1.5)) * (1.0 / 1.5)
    return b, t


def _make_kernel():
    mesh = plsc.VectorSubcoreMesh(core_axis_name="c", subcore_axis_name="s")

    @functools.partial(
        pl.kernel,
        mesh=mesh,
        compiler_params=pltpu.CompilerParams(needs_layout_passes=False),
        out_type=jax.ShapeDtypeStruct((N_SAMPLES,), jnp.float32),
        scratch_types=[
            pltpu.VMEM((SPW,), jnp.float32),
            pltpu.VMEM((N_WIDTH * N_NODES,), jnp.float32),
            pltpu.VMEM((N_WIDTH * N_NODES,), jnp.float32),
            pltpu.VMEM((SPW,), jnp.float32),
            pltpu.SemaphoreType.DMA,
            pltpu.SemaphoreType.DMA,
            pltpu.SemaphoreType.DMA,
        ],
    )
    def kann(x_hbm, wi_hbm, wo_hbm, out_hbm, x_v, wi_v, wo_v, out_v,
             sem_x, sem_wi, sem_wo):
        wid = lax.axis_index("s") * NC + lax.axis_index("c")
        base = wid * SPW
        cp_x = pltpu.async_copy(x_hbm.at[pl.ds(base, SPW)], x_v, sem_x)
        cp_wi = pltpu.async_copy(wi_hbm, wi_v, sem_wi)
        cp_wo = pltpu.async_copy(wo_hbm, wo_v, sem_wo)
        cp_x.wait()

        b1s, p1s = [], []
        for g in range(G):
            xv = x_v[pl.ds(g * L, L)]
            b1, t1c = _elem(xv)
            b1s.append(b1)
            p1s.append(_basis4(t1c))
        cp_wi.wait()
        cp_wo.wait()

        def kbody(k, accs):
            kb = k * N_NODES
            out = []
            for g in range(G):
                b1, p1 = b1s[g], p1s[g]
                idx1 = b1 + kb
                t1k = p1[0] * plsc.load_gather(wi_v, [idx1])
                for j in range(1, 4):
                    t1k = t1k + p1[j] * plsc.load_gather(wi_v, [idx1 + j])
                b2, t2c = _elem(t1k)
                idx2 = b2 + kb
                g0 = plsc.load_gather(wo_v, [idx2])
                g1 = plsc.load_gather(wo_v, [idx2 + 1])
                g2 = plsc.load_gather(wo_v, [idx2 + 2])
                g3 = plsc.load_gather(wo_v, [idx2 + 3])
                tt = t2c * t2c
                u2 = 0.5625 * tt - 0.0625
                v2 = 0.5625 - 0.5625 * tt
                tu2 = t2c * u2
                w3 = 3.0 * (t2c * v2)
                r = u2 * (g0 + g3) + tu2 * (g3 - g0)
                r = r + v2 * (g1 + g2) + w3 * (g2 - g1)
                out.append(accs[g] + r)
            return tuple(out)

        accs = lax.fori_loop(
            0, N_WIDTH, kbody, tuple(jnp.zeros((L,), jnp.float32) for _ in range(G))
        )
        for g in range(G):
            out_v[pl.ds(g * L, L)] = accs[g]

        pltpu.sync_copy(out_v, out_hbm.at[pl.ds(base, SPW)])

    return kann


_kann = _make_kernel()


@jax.jit
def kernel(x, w_inner, w_outer):
    return _kann(x, w_inner.reshape(-1), w_outer.reshape(-1))

# --- scband reference (transcript-rebuilt; emitter-appended) ---
"""Pipeline reference for scband-kann-31379031064675 (READ-ONLY COPY).

The authoritative reference and input builder live on the scoring server;
editing this copy changes nothing except your own understanding.
"""

import jax, jax.numpy as jnp
import numpy as np

N_WIDTH = 32
N_ORDER = 3
N_ELEMENTS = 64
N_SAMPLES = 2048
X_MIN = 0.0
X_MAX = 1.0
N_NODES = N_ELEMENTS * N_ORDER + 1


def lagrange(x, n_order):
    nodes = jnp.linspace(-1.0, 1.0, n_order + 1)
    cols = []
    for j in range(n_order + 1):
        p = jnp.ones_like(x)
        for m in range(n_order + 1):
            if j != m:
                p = p * (x - nodes[m]) / (nodes[j] - nodes[m])
        cols.append(p)
    return jnp.stack(cols, axis=-1)


def dlagrange(x, n_order):
    nodes = jnp.linspace(-1.0, 1.0, n_order + 1)
    cols = []
    for j in range(n_order + 1):
        y = jnp.zeros_like(x)
        for i in range(n_order + 1):
            if i != j:
                k = jnp.ones_like(x) / (nodes[j] - nodes[i])
                for m in range(n_order + 1):
                    if m != i and m != j:
                        k = k * (x - nodes[m]) / (nodes[j] - nodes[m])
                y = y + k
        cols.append(y)
    return jnp.stack(cols, axis=-1)


def ddlagrange(x, n_order):
    nodes = jnp.linspace(-1.0, 1.0, n_order + 1)
    cols = []
    for j in range(n_order + 1):
        y = jnp.zeros_like(x)
        for i in range(n_order + 1):
            if i != j:
                k_sum = jnp.zeros_like(x)
                for m in range(n_order + 1):
                    if m != i and m != j:
                        k_prod = jnp.ones_like(x) / (nodes[j] - nodes[m])
                        for n in range(n_order + 1):
                            if n != i and n != j and n != m:
                                k_prod = k_prod * (x - nodes[n]) / (nodes[j] - nodes[n])
                        k_sum = k_sum + k_prod
                y = y + k_sum / (nodes[j] - nodes[i])
        cols.append(y)
    return jnp.stack(cols, axis=-1)


def layer_forward(x, weight):
    if x.ndim != 2:
        x = jnp.repeat(x[:, None], N_WIDTH, axis=-1)
    x_shift = (N_NODES - 1) * (x - X_MIN) / (X_MAX - X_MIN)
    id_el = jnp.floor(x_shift / N_ORDER)
    id_el = jnp.clip(id_el, 0.0, N_ELEMENTS - 1)
    nodes_in_l = (id_el * N_ORDER).astype(jnp.int32)
    nodes_in_r = nodes_in_l + N_ORDER
    x_t = (x_shift - 0.5 * (nodes_in_l + nodes_in_r)) / (0.5 * (nodes_in_r - nodes_in_l))
    delta_x = 0.5 * N_ORDER * (X_MAX - X_MIN) / (N_NODES - 1)
    phi_local = lagrange(x_t, N_ORDER)
    dphi_local = dlagrange(x_t, N_ORDER) / delta_x
    ddphi_local = ddlagrange(x_t, N_ORDER) / (delta_x ** 2)
    S, W = x.shape
    node_idx = nodes_in_l[:, :, None] + jnp.arange(N_ORDER + 1)[None, None, :]
    i_idx = jnp.arange(S)[:, None, None]
    k_idx = jnp.arange(W)[None, :, None]
    phi = jnp.zeros((S, W, N_NODES), dtype=x.dtype).at[i_idx, k_idx, node_idx].set(phi_local)
    dphi = jnp.zeros((S, W, N_NODES), dtype=x.dtype).at[i_idx, k_idx, node_idx].set(dphi_local)
    ddphi = jnp.zeros((S, W, N_NODES), dtype=x.dtype).at[i_idx, k_idx, node_idx].set(ddphi_local)
    t_ik = jnp.einsum('kp,ikp->ik', weight, phi)
    dt_ik = jnp.einsum('kp,ikp->ik', weight, dphi)
    ddt_ik = jnp.einsum('kp,ikp->ik', weight, ddphi)
    return {'t_ik': t_ik, 'dt_ik': dt_ik, 'ddt_ik': ddt_ik}


def setup_inputs(seed: int = 0) -> dict:
    key = jax.random.key(seed)
    k1, k2, k3 = jax.random.split(key, 3)
    x = jax.random.uniform(k1, (N_SAMPLES,), dtype=jnp.float32)
    w_inner = jax.random.normal(k2, (N_WIDTH, N_NODES), dtype=jnp.float32) * 0.1
    w_outer = jax.random.normal(k3, (N_WIDTH, N_NODES), dtype=jnp.float32) * 0.1
    return {'x': x, 'w_inner': w_inner, 'w_outer': w_outer}


def reference(x, w_inner, w_outer):
    t1 = layer_forward(x, w_inner)['t_ik']
    t2 = layer_forward(t1, w_outer)['t_ik']
    return jnp.einsum('ik->i', t2)

if __name__ == "__main__":
    import jax
    _d = setup_inputs()
    print(jax.jit(kernel)(*tuple(_d.values())))

</pallas_src>

<mosaic_0001>
#map = affine_map<(d0, d1) -> (0)>
module attributes {stable_mosaic.version = 14 : i64} {
  func.func @kann(%arg0: i32, %arg1: i32, %arg2: memref<2048xf32, #tpu.memory_space<hbm>>, %arg3: memref<6176xf32, #tpu.memory_space<hbm>>, %arg4: memref<6176xf32, #tpu.memory_space<hbm>>, %arg5: memref<2048xf32, #tpu.memory_space<hbm>>, %arg6: memref<64xf32, #tpu.memory_space<vmem>>, %arg7: memref<6176xf32, #tpu.memory_space<vmem>>, %arg8: memref<6176xf32, #tpu.memory_space<vmem>>, %arg9: memref<64xf32, #tpu.memory_space<vmem>>, %arg10: memref<!tpu.dma_semaphore, #tpu.memory_space<semaphore_mem>>, %arg11: memref<!tpu.dma_semaphore, #tpu.memory_space<semaphore_mem>>, %arg12: memref<!tpu.dma_semaphore, #tpu.memory_space<semaphore_mem>>) attributes {dimension_semantics = [#tpu.dimension_semantics<core_parallel>, #tpu.dimension_semantics<subcore_parallel>], iteration_bounds = array<i64: 2, 16>, scalar_prefetch = 0 : i64, scratch_operands = 7 : i64, tpu.core_type = #tpu.core_type<sc_vector_subcore>, window_params = [{transform_indices = #map}, {transform_indices = #map}, {transform_indices = #map}, {transform_indices = #map}]} {
    %mul3A = arith.constant 2 : i32
    %mul3A_0 = arith.muli %arg1, %mul3A : i32
    %add3A = arith.addi %mul3A_0, %arg0 : i32
    %mul3A_1 = arith.constant 64 : i32
    %mul3A_2 = arith.muli %add3A, %mul3A_1 : i32
    %dma_start3A = tpu.memref_slice %arg2[%mul3A_2] : memref<2048xf32, #tpu.memory_space<hbm>> -> memref<64xf32, #tpu.memory_space<hbm>>
    %dma_start3A_3 = tpu.memref_slice %arg2[%mul3A_2] : memref<2048xf32, #tpu.memory_space<hbm>> -> memref<64xf32, #tpu.memory_space<hbm>>
    tpu.enqueue_dma source(%dma_start3A_3 : memref<64xf32, #tpu.memory_space<hbm>>) target(%arg6 : memref<64xf32, #tpu.memory_space<vmem>>) target_semaphore(%arg10 : memref<!tpu.dma_semaphore, #tpu.memory_space<semaphore_mem>>)
    tpu.enqueue_dma source(%arg3 : memref<6176xf32, #tpu.memory_space<hbm>>) target(%arg7 : memref<6176xf32, #tpu.memory_space<vmem>>) target_semaphore(%arg11 : memref<!tpu.dma_semaphore, #tpu.memory_space<semaphore_mem>>)
    tpu.enqueue_dma source(%arg4 : memref<6176xf32, #tpu.memory_space<hbm>>) target(%arg8 : memref<6176xf32, #tpu.memory_space<vmem>>) target_semaphore(%arg12 : memref<!tpu.dma_semaphore, #tpu.memory_space<semaphore_mem>>)
    %dma_wait3A = tpu.memref_slice %arg2[%mul3A_2] : memref<2048xf32, #tpu.memory_space<hbm>> -> memref<64xf32, #tpu.memory_space<hbm>>
    %dma_wait3A_4 = tpu.memref_slice %arg2[%mul3A_2] : memref<2048xf32, #tpu.memory_space<hbm>> -> memref<64xf32, #tpu.memory_space<hbm>>
    tpu.wait_dma2 semaphore(%arg10 : memref<!tpu.dma_semaphore, #tpu.memory_space<semaphore_mem>>) src(%dma_wait3A_4 : memref<64xf32, #tpu.memory_space<hbm>>) dst(%arg6 : memref<64xf32, #tpu.memory_space<vmem>>)
    %get3A = arith.constant 0 : index
    %get3A_5 = tpu.vector_load %arg6[%get3A] {strides = array<i32>} : memref<64xf32, #tpu.memory_space<vmem>>, vector<16xf32>,
    %mul3A_6 = arith.constant 1.920000e+02 : f32
    %mul3A_7 = vector.broadcast %mul3A_6 : f32 to vector<16xf32>
    %mul3A_8 = arith.mulf %get3A_5, %mul3A_7 : vector<16xf32>
    %mul3A_9 = arith.constant 0.333333343 : f32
    %mul3A_10 = vector.broadcast %mul3A_9 : f32 to vector<16xf32>
    %mul3A_11 = arith.mulf %mul3A_8, %mul3A_10 : vector<16xf32>
    %convert_element_type3A = arith.fptosi %mul3A_11 : vector<16xf32> to vector<16xi32>
    %jit3A = arith.constant 0 : i32
    %jit3A_12 = arith.constant 63 : i32
    %max3A = vector.broadcast %jit3A : i32 to vector<16xi32>
    %max3A_13 = arith.maxsi %max3A, %convert_element_type3A : vector<16xi32>
    %min3A = vector.broadcast %jit3A_12 : i32 to vector<16xi32>
    %min3A_14 = arith.minsi %min3A, %max3A_13 : vector<16xi32>
    %mul3A_15 = arith.constant 3 : i32
    %mul3A_16 = vector.broadcast %mul3A_15 : i32 to vector<16xi32>
    %mul3A_17 = arith.muli %min3A_14, %mul3A_16 : vector<16xi32>
    %convert_element_type3A_18 = arith.sitofp %mul3A_17 : vector<16xi32> to vector<16xf32>
    %add3A_19 = arith.constant 1.500000e+00 : f32
    %add3A_20 = vector.broadcast %add3A_19 : f32 to vector<16xf32>
    %add3A_21 = arith.addf %convert_element_type3A_18, %add3A_20 : vector<16xf32>
    %sub3A = arith.subf %mul3A_8, %add3A_21 : vector<16xf32>
    %mul3A_22 = arith.constant 0.666666686 : f32
    %mul3A_23 = vector.broadcast %mul3A_22 : f32 to vector<16xf32>
    %mul3A_24 = arith.mulf %sub3A, %mul3A_23 : vector<16xf32>
    %mul3A_25 = arith.constant -5.625000e-01 : f32
    %mul3A_26 = vector.broadcast %mul3A_25 : f32 to vector<16xf32>
    %mul3A_27 = arith.mulf %mul3A_26, %mul3A_24 : vector<16xf32>
    %add3A_28 = arith.constant 5.625000e-01 : f32
    %add3A_29 = vector.broadcast %add3A_28 : f32 to vector<16xf32>
    %add3A_30 = arith.addf %mul3A_27, %add3A_29 : vector<16xf32>
    %mul3A_31 = arith.mulf %add3A_30, %mul3A_24 : vector<16xf32>
    %add3A_32 = arith.constant 6.250000e-02 : f32
    %add3A_33 = vector.broadcast %add3A_32 : f32 to vector<16xf32>
    %add3A_34 = arith.addf %mul3A_31, %add3A_33 : vector<16xf32>
    %mul3A_35 = arith.mulf %add3A_34, %mul3A_24 : vector<16xf32>
    %add3A_36 = arith.constant -6.250000e-02 : f32
    %add3A_37 = vector.broadcast %add3A_36 : f32 to vector<16xf32>
    %add3A_38 = arith.addf %mul3A_35, %add3A_37 : vector<16xf32>
    %mul3A_39 = arith.constant 1.687500e+00 : f32
    %mul3A_40 = vector.broadcast %mul3A_39 : f32 to vector<16xf32>
    %mul3A_41 = arith.mulf %mul3A_40, %mul3A_24 : vector<16xf32>
    %add3A_42 = arith.constant -5.625000e-01 : f32
    %add3A_43 = vector.broadcast %add3A_42 : f32 to vector<16xf32>
    %add3A_44 = arith.addf %mul3A_41, %add3A_43 : vector<16xf32>
    %mul3A_45 = arith.mulf %add3A_44, %mul3A_24 : vector<16xf32>
    %add3A_46 = arith.constant -1.687500e+00 : f32
    %add3A_47 = vector.broadcast %add3A_46 : f32 to vector<16xf32>
    %add3A_48 = arith.addf %mul3A_45, %add3A_47 : vector<16xf32>
    %mul3A_49 = arith.mulf %add3A_48, %mul3A_24 : vector<16xf32>
    %add3A_50 = arith.constant 5.625000e-01 : f32
    %add3A_51 = vector.broadcast %add3A_50 : f32 to vector<16xf32>
    %add3A_52 = arith.addf %mul3A_49, %add3A_51 : vector<16xf32>
    %mul3A_53 = arith.constant -1.687500e+00 : f32
    %mul3A_54 = vector.broadcast %mul3A_53 : f32 to vector<16xf32>
    %mul3A_55 = arith.mulf %mul3A_54, %mul3A_24 : vector<16xf32>
    %add3A_56 = arith.constant -5.625000e-01 : f32
    %add3A_57 = vector.broadcast %add3A_56 : f32 to vector<16xf32>
    %add3A_58 = arith.addf %mul3A_55, %add3A_57 : vector<16xf32>
    %mul3A_59 = arith.mulf %add3A_58, %mul3A_24 : vector<16xf32>
    %add3A_60 = arith.constant 1.687500e+00 : f32
    %add3A_61 = vector.broadcast %add3A_60 : f32 to vector<16xf32>
    %add3A_62 = arith.addf %mul3A_59, %add3A_61 : vector<16xf32>
    %mul3A_63 = arith.mulf %add3A_62, %mul3A_24 : vector<16xf32>
    %add3A_64 = arith.constant 5.625000e-01 : f32
    %add3A_65 = vector.broadcast %add3A_64 : f32 to vector<16xf32>
    %add3A_66 = arith.addf %mul3A_63, %add3A_65 : vector<16xf32>
    %mul3A_67 = arith.constant 5.625000e-01 : f32
    %mul3A_68 = vector.broadcast %mul3A_67 : f32 to vector<16xf32>
    %mul3A_69 = arith.mulf %mul3A_68, %mul3A_24 : vector<16xf32>
    %add3A_70 = arith.constant 5.625000e-01 : f32
    %add3A_71 = vector.broadcast %add3A_70 : f32 to vector<16xf32>
    %add3A_72 = arith.addf %mul3A_69, %add3A_71 : vector<16xf32>
    %mul3A_73 = arith.mulf %add3A_72, %mul3A_24 : vector<16xf32>
    %add3A_74 = arith.constant -6.250000e-02 : f32
    %add3A_75 = vector.broadcast %add3A_74 : f32 to vector<16xf32>
    %add3A_76 = arith.addf %mul3A_73, %add3A_75 : vector<16xf32>
    %mul3A_77 = arith.mulf %add3A_76, %mul3A_24 : vector<16xf32>
    %add3A_78 = arith.constant -6.250000e-02 : f32
    %add3A_79 = vector.broadcast %add3A_78 : f32 to vector<16xf32>
    %add3A_80 = arith.addf %mul3A_77, %add3A_79 : vector<16xf32>
    %get3A_81 = arith.constant 16 : index
    %get3A_82 = tpu.vector_load %arg6[%get3A_81] {strides = array<i32>} : memref<64xf32, #tpu.memory_space<vmem>>, vector<16xf32>,
    %mul3A_83 = arith.constant 1.920000e+02 : f32
    %mul3A_84 = vector.broadcast %mul3A_83 : f32 to vector<16xf32>
    %mul3A_85 = arith.mulf %get3A_82, %mul3A_84 : vector<16xf32>
    %mul3A_86 = arith.constant 0.333333343 : f32
    %mul3A_87 = vector.broadcast %mul3A_86 : f32 to vector<16xf32>
    %mul3A_88 = arith.mulf %mul3A_85, %mul3A_87 : vector<16xf32>
    %convert_element_type3A_89 = arith.fptosi %mul3A_88 : vector<16xf32> to vector<16xi32>
    %jit3A_90 = arith.constant 0 : i32
    %jit3A_91 = arith.constant 63 : i32
    %max3A_92 = vector.broadcast %jit3A_90 : i32 to vector<16xi32>
    %max3A_93 = arith.maxsi %max3A_92, %convert_element_type3A_89 : vector<16xi32>
    %min3A_94 = vector.broadcast %jit3A_91 : i32 to vector<16xi32>
    %min3A_95 = arith.minsi %min3A_94, %max3A_93 : vector<16xi32>
    %mul3A_96 = arith.constant 3 : i32
    %mul3A_97 = vector.broadcast %mul3A_96 : i32 to vector<16xi32>
    %mul3A_98 = arith.muli %min3A_95, %mul3A_97 : vector<16xi32>
    %convert_element_type3A_99 = arith.sitofp %mul3A_98 : vector<16xi32> to vector<16xf32>
    %add3A_100 = arith.constant 1.500000e+00 : f32
    %add3A_101 = vector.broadcast %add3A_100 : f32 to vector<16xf32>
    %add3A_102 = arith.addf %convert_element_type3A_99, %add3A_101 : vector<16xf32>
    %sub3A_103 = arith.subf %mul3A_85, %add3A_102 : vector<16xf32>
    %mul3A_104 = arith.constant 0.666666686 : f32
    %mul3A_105 = vector.broadcast %mul3A_104 : f32 to vector<16xf32>
    %mul3A_106 = arith.mulf %sub3A_103, %mul3A_105 : vector<16xf32>
    %mul3A_107 = arith.constant -5.625000e-01 : f32
    %mul3A_108 = vector.broadcast %mul3A_107 : f32 to vector<16xf32>
    %mul3A_109 = arith.mulf %mul3A_108, %mul3A_106 : vector<16xf32>
    %add3A_110 = arith.constant 5.625000e-01 : f32
    %add3A_111 = vector.broadcast %add3A_110 : f32 to vector<16xf32>
    %add3A_112 = arith.addf %mul3A_109, %add3A_111 : vector<16xf32>
    %mul3A_113 = arith.mulf %add3A_112, %mul3A_106 : vector<16xf32>
    %add3A_114 = arith.constant 6.250000e-02 : f32
    %add3A_115 = vector.broadcast %add3A_114 : f32 to vector<16xf32>
    %add3A_116 = arith.addf %mul3A_113, %add3A_115 : vector<16xf32>
    %mul3A_117 = arith.mulf %add3A_116, %mul3A_106 : vector<16xf32>
    %add3A_118 = arith.constant -6.250000e-02 : f32
    %add3A_119 = vector.broadcast %add3A_118 : f32 to vector<16xf32>
    %add3A_120 = arith.addf %mul3A_117, %add3A_119 : vector<16xf32>
    %mul3A_121 = arith.constant 1.687500e+00 : f32
    %mul3A_122 = vector.broadcast %mul3A_121 : f32 to vector<16xf32>
    %mul3A_123 = arith.mulf %mul3A_122, %mul3A_106 : vector<16xf32>
    %add3A_124 = arith.constant -5.625000e-01 : f32
    %add3A_125 = vector.broadcast %add3A_124 : f32 to vector<16xf32>
    %add3A_126 = arith.addf %mul3A_123, %add3A_125 : vector<16xf32>
    %mul3A_127 = arith.mulf %add3A_126, %mul3A_106 : vector<16xf32>
    %add3A_128 = arith.constant -1.687500e+00 : f32
    %add3A_129 = vector.broadcast %add3A_128 : f32 to vector<16xf32>
    %add3A_130 = arith.addf %mul3A_127, %add3A_129 : vector<16xf32>
    %mul3A_131 = arith.mulf %add3A_130, %mul3A_106 : vector<16xf32>
    %add3A_132 = arith.constant 5.625000e-01 : f32
    %add3A_133 = vector.broadcast %add3A_132 : f32 to vector<16xf32>
    %add3A_134 = arith.addf %mul3A_131, %add3A_133 : vector<16xf32>
    %mul3A_135 = arith.constant -1.687500e+00 : f32
    %mul3A_136 = vector.broadcast %mul3A_135 : f32 to vector<16xf32>
    %mul3A_137 = arith.mulf %mul3A_136, %mul3A_106 : vector<16xf32>
    %add3A_138 = arith.constant -5.625000e-01 : f32
    %add3A_139 = vector.broadcast %add3A_138 : f32 to vector<16xf32>
    %add3A_140 = arith.addf %mul3A_137, %add3A_139 : vector<16xf32>
    %mul3A_141 = arith.mulf %add3A_140, %mul3A_106 : vector<16xf32>
    %add3A_142 = arith.constant 1.687500e+00 : f32
    %add3A_143 = vector.broadcast %add3A_142 : f32 to vector<16xf32>
    %add3A_144 = arith.addf %mul3A_141, %add3A_143 : vector<16xf32>
    %mul3A_145 = arith.mulf %add3A_144, %mul3A_106 : vector<16xf32>
    %add3A_146 = arith.constant 5.625000e-01 : f32
    %add3A_147 = vector.broadcast %add3A_146 : f32 to vector<16xf32>
    %add3A_148 = arith.addf %mul3A_145, %add3A_147 : vector<16xf32>
    %mul3A_149 = arith.constant 5.625000e-01 : f32
    %mul3A_150 = vector.broadcast %mul3A_149 : f32 to vector<16xf32>
    %mul3A_151 = arith.mulf %mul3A_150, %mul3A_106 : vector<16xf32>
    %add3A_152 = arith.constant 5.625000e-01 : f32
    %add3A_153 = vector.broadcast %add3A_152 : f32 to vector<16xf32>
    %add3A_154 = arith.addf %mul3A_151, %add3A_153 : vector<16xf32>
    %mul3A_155 = arith.mulf %add3A_154, %mul3A_106 : vector<16xf32>
    %add3A_156 = arith.constant -6.250000e-02 : f32
    %add3A_157 = vector.broadcast %add3A_156 : f32 to vector<16xf32>
    %add3A_158 = arith.addf %mul3A_155, %add3A_157 : vector<16xf32>
    %mul3A_159 = arith.mulf %add3A_158, %mul3A_106 : vector<16xf32>
    %add3A_160 = arith.constant -6.250000e-02 : f32
    %add3A_161 = vector.broadcast %add3A_160 : f32 to vector<16xf32>
    %add3A_162 = arith.addf %mul3A_159, %add3A_161 : vector<16xf32>
    %get3A_163 = arith.constant 32 : index
    %get3A_164 = tpu.vector_load %arg6[%get3A_163] {strides = array<i32>} : memref<64xf32, #tpu.memory_space<vmem>>, vector<16xf32>,
    %mul3A_165 = arith.constant 1.920000e+02 : f32
    %mul3A_166 = vector.broadcast %mul3A_165 : f32 to vector<16xf32>
    %mul3A_167 = arith.mulf %get3A_164, %mul3A_166 : vector<16xf32>
    %mul3A_168 = arith.constant 0.333333343 : f32
    %mul3A_169 = vector.broadcast %mul3A_168 : f32 to vector<16xf32>
    %mul3A_170 = arith.mulf %mul3A_167, %mul3A_169 : vector<16xf32>
    %convert_element_type3A_171 = arith.fptosi %mul3A_170 : vector<16xf32> to vector<16xi32>
    %jit3A_172 = arith.constant 0 : i32
    %jit3A_173 = arith.constant 63 : i32
    %max3A_174 = vector.broadcast %jit3A_172 : i32 to vector<16xi32>
    %max3A_175 = arith.maxsi %max3A_174, %convert_element_type3A_171 : vector<16xi32>
    %min3A_176 = vector.broadcast %jit3A_173 : i32 to vector<16xi32>
    %min3A_177 = arith.minsi %min3A_176, %max3A_175 : vector<16xi32>
    %mul3A_178 = arith.constant 3 : i32
    %mul3A_179 = vector.broadcast %mul3A_178 : i32 to vector<16xi32>
    %mul3A_180 = arith.muli %min3A_177, %mul3A_179 : vector<16xi32>
    %convert_element_type3A_181 = arith.sitofp %mul3A_180 : vector<16xi32> to vector<16xf32>
    %add3A_182 = arith.constant 1.500000e+00 : f32
    %add3A_183 = vector.broadcast %add3A_182 : f32 to vector<16xf32>
    %add3A_184 = arith.addf %convert_element_type3A_181, %add3A_183 : vector<16xf32>
    %sub3A_185 = arith.subf %mul3A_167, %add3A_184 : vector<16xf32>
    %mul3A_186 = arith.constant 0.666666686 : f32
    %mul3A_187 = vector.broadcast %mul3A_186 : f32 to vector<16xf32>
    %mul3A_188 = arith.mulf %sub3A_185, %mul3A_187 : vector<16xf32>
    %mul3A_189 = arith.constant -5.625000e-01 : f32
    %mul3A_190 = vector.broadcast %mul3A_189 : f32 to vector<16xf32>
    %mul3A_191 = arith.mulf %mul3A_190, %mul3A_188 : vector<16xf32>
    %add3A_192 = arith.constant 5.625000e-01 : f32
    %add3A_193 = vector.broadcast %add3A_192 : f32 to vector<16xf32>
    %add3A_194 = arith.addf %mul3A_191, %add3A_193 : vector<16xf32>
    %mul3A_195 = arith.mulf %add3A_194, %mul3A_188 : vector<16xf32>
    %add3A_196 = arith.constant 6.250000e-02 : f32
    %add3A_197 = vector.broadcast %add3A_196 : f32 to vector<16xf32>
    %add3A_198 = arith.addf %mul3A_195, %add3A_197 : vector<16xf32>
    %mul3A_199 = arith.mulf %add3A_198, %mul3A_188 : vector<16xf32>
    %add3A_200 = arith.constant -6.250000e-02 : f32
    %add3A_201 = vector.broadcast %add3A_200 : f32 to vector<16xf32>
    %add3A_202 = arith.addf %mul3A_199, %add3A_201 : vector<16xf32>
    %mul3A_203 = arith.constant 1.687500e+00 : f32
    %mul3A_204 = vector.broadcast %mul3A_203 : f32 to vector<16xf32>
    %mul3A_205 = arith.mulf %mul3A_204, %mul3A_188 : vector<16xf32>
    %add3A_206 = arith.constant -5.625000e-01 : f32
    %add3A_207 = vector.broadcast %add3A_206 : f32 to vector<16xf32>
    %add3A_208 = arith.addf %mul3A_205, %add3A_207 : vector<16xf32>
    %mul3A_209 = arith.mulf %add3A_208, %mul3A_188 : vector<16xf32>
    %add3A_210 = arith.constant -1.687500e+00 : f32
    %add3A_211 = vector.broadcast %add3A_210 : f32 to vector<16xf32>
    %add3A_212 = arith.addf %mul3A_209, %add3A_211 : vector<16xf32>
    %mul3A_213 = arith.mulf %add3A_212, %mul3A_188 : vector<16xf32>
    %add3A_214 = arith.constant 5.625000e-01 : f32
    %add3A_215 = vector.broadcast %add3A_214 : f32 to vector<16xf32>
    %add3A_216 = arith.addf %mul3A_213, %add3A_215 : vector<16xf32>
    %mul3A_217 = arith.constant -1.687500e+00 : f32
    %mul3A_218 = vector.broadcast %mul3A_217 : f32 to vector<16xf32>
    %mul3A_219 = arith.mulf %mul3A_218, %mul3A_188 : vector<16xf32>
    %add3A_220 = arith.constant -5.625000e-01 : f32
    %add3A_221 = vector.broadcast %add3A_220 : f32 to vector<16xf32>
    %add3A_222 = arith.addf %mul3A_219, %add3A_221 : vector<16xf32>
    %mul3A_223 = arith.mulf %add3A_222, %mul3A_188 : vector<16xf32>
    %add3A_224 = arith.constant 1.687500e+00 : f32
    %add3A_225 = vector.broadcast %add3A_224 : f32 to vector<16xf32>
    %add3A_226 = arith.addf %mul3A_223, %add3A_225 : vector<16xf32>
    %mul3A_227 = arith.mulf %add3A_226, %mul3A_188 : vector<16xf32>
    %add3A_228 = arith.constant 5.625000e-01 : f32
    %add3A_229 = vector.broadcast %add3A_228 : f32 to vector<16xf32>
    %add3A_230 = arith.addf %mul3A_227, %add3A_229 : vector<16xf32>
    %mul3A_231 = arith.constant 5.625000e-01 : f32
    %mul3A_232 = vector.broadcast %mul3A_231 : f32 to vector<16xf32>
    %mul3A_233 = arith.mulf %mul3A_232, %mul3A_188 : vector<16xf32>
    %add3A_234 = arith.constant 5.625000e-01 : f32
    %add3A_235 = vector.broadcast %add3A_234 : f32 to vector<16xf32>
    %add3A_236 = arith.addf %mul3A_233, %add3A_235 : vector<16xf32>
    %mul3A_237 = arith.mulf %add3A_236, %mul3A_188 : vector<16xf32>
    %add3A_238 = arith.constant -6.250000e-02 : f32
    %add3A_239 = vector.broadcast %add3A_238 : f32 to vector<16xf32>
    %add3A_240 = arith.addf %mul3A_237, %add3A_239 : vector<16xf32>
    %mul3A_241 = arith.mulf %add3A_240, %mul3A_188 : vector<16xf32>
    %add3A_242 = arith.constant -6.250000e-02 : f32
    %add3A_243 = vector.broadcast %add3A_242 : f32 to vector<16xf32>
    %add3A_244 = arith.addf %mul3A_241, %add3A_243 : vector<16xf32>
    %get3A_245 = arith.constant 48 : index
    %get3A_246 = tpu.vector_load %arg6[%get3A_245] {strides = array<i32>} : memref<64xf32, #tpu.memory_space<vmem>>, vector<16xf32>,
    %mul3A_247 = arith.constant 1.920000e+02 : f32
    %mul3A_248 = vector.broadcast %mul3A_247 : f32 to vector<16xf32>
    %mul3A_249 = arith.mulf %get3A_246, %mul3A_248 : vector<16xf32>
    %mul3A_250 = arith.constant 0.333333343 : f32
    %mul3A_251 = vector.broadcast %mul3A_250 : f32 to vector<16xf32>
    %mul3A_252 = arith.mulf %mul3A_249, %mul3A_251 : vector<16xf32>
    %convert_element_type3A_253 = arith.fptosi %mul3A_252 : vector<16xf32> to vector<16xi32>
    %jit3A_254 = arith.constant 0 : i32
    %jit3A_255 = arith.constant 63 : i32
    %max3A_256 = vector.broadcast %jit3A_254 : i32 to vector<16xi32>
    %max3A_257 = arith.maxsi %max3A_256, %convert_element_type3A_253 : vector<16xi32>
    %min3A_258 = vector.broadcast %jit3A_255 : i32 to vector<16xi32>
    %min3A_259 = arith.minsi %min3A_258, %max3A_257 : vector<16xi32>
    %mul3A_260 = arith.constant 3 : i32
    %mul3A_261 = vector.broadcast %mul3A_260 : i32 to vector<16xi32>
    %mul3A_262 = arith.muli %min3A_259, %mul3A_261 : vector<16xi32>
    %convert_element_type3A_263 = arith.sitofp %mul3A_262 : vector<16xi32> to vector<16xf32>
    %add3A_264 = arith.constant 1.500000e+00 : f32
    %add3A_265 = vector.broadcast %add3A_264 : f32 to vector<16xf32>
    %add3A_266 = arith.addf %convert_element_type3A_263, %add3A_265 : vector<16xf32>
    %sub3A_267 = arith.subf %mul3A_249, %add3A_266 : vector<16xf32>
    %mul3A_268 = arith.constant 0.666666686 : f32
    %mul3A_269 = vector.broadcast %mul3A_268 : f32 to vector<16xf32>
    %mul3A_270 = arith.mulf %sub3A_267, %mul3A_269 : vector<16xf32>
    %mul3A_271 = arith.constant -5.625000e-01 : f32
    %mul3A_272 = vector.broadcast %mul3A_271 : f32 to vector<16xf32>
    %mul3A_273 = arith.mulf %mul3A_272, %mul3A_270 : vector<16xf32>
    %add3A_274 = arith.constant 5.625000e-01 : f32
    %add3A_275 = vector.broadcast %add3A_274 : f32 to vector<16xf32>
    %add3A_276 = arith.addf %mul3A_273, %add3A_275 : vector<16xf32>
    %mul3A_277 = arith.mulf %add3A_276, %mul3A_270 : vector<16xf32>
    %add3A_278 = arith.constant 6.250000e-02 : f32
    %add3A_279 = vector.broadcast %add3A_278 : f32 to vector<16xf32>
    %add3A_280 = arith.addf %mul3A_277, %add3A_279 : vector<16xf32>
    %mul3A_281 = arith.mulf %add3A_280, %mul3A_270 : vector<16xf32>
    %add3A_282 = arith.constant -6.250000e-02 : f32
    %add3A_283 = vector.broadcast %add3A_282 : f32 to vector<16xf32>
    %add3A_284 = arith.addf %mul3A_281, %add3A_283 : vector<16xf32>
    %mul3A_285 = arith.constant 1.687500e+00 : f32
    %mul3A_286 = vector.broadcast %mul3A_285 : f32 to vector<16xf32>
    %mul3A_287 = arith.mulf %mul3A_286, %mul3A_270 : vector<16xf32>
    %add3A_288 = arith.constant -5.625000e-01 : f32
    %add3A_289 = vector.broadcast %add3A_288 : f32 to vector<16xf32>
    %add3A_290 = arith.addf %mul3A_287, %add3A_289 : vector<16xf32>
    %mul3A_291 = arith.mulf %add3A_290, %mul3A_270 : vector<16xf32>
    %add3A_292 = arith.constant -1.687500e+00 : f32
    %add3A_293 = vector.broadcast %add3A_292 : f32 to vector<16xf32>
    %add3A_294 = arith.addf %mul3A_291, %add3A_293 : vector<16xf32>
    %mul3A_295 = arith.mulf %add3A_294, %mul3A_270 : vector<16xf32>
    %add3A_296 = arith.constant 5.625000e-01 : f32
    %add3A_297 = vector.broadcast %add3A_296 : f32 to vector<16xf32>
    %add3A_298 = arith.addf %mul3A_295, %add3A_297 : vector<16xf32>
    %mul3A_299 = arith.constant -1.687500e+00 : f32
    %mul3A_300 = vector.broadcast %mul3A_299 : f32 to vector<16xf32>
    %mul3A_301 = arith.mulf %mul3A_300, %mul3A_270 : vector<16xf32>
    %add3A_302 = arith.constant -5.625000e-01 : f32
    %add3A_303 = vector.broadcast %add3A_302 : f32 to vector<16xf32>
    %add3A_304 = arith.addf %mul3A_301, %add3A_303 : vector<16xf32>
    %mul3A_305 = arith.mulf %add3A_304, %mul3A_270 : vector<16xf32>
    %add3A_306 = arith.constant 1.687500e+00 : f32
    %add3A_307 = vector.broadcast %add3A_306 : f32 to vector<16xf32>
    %add3A_308 = arith.addf %mul3A_305, %add3A_307 : vector<16xf32>
    %mul3A_309 = arith.mulf %add3A_308, %mul3A_270 : vector<16xf32>
    %add3A_310 = arith.constant 5.625000e-01 : f32
    %add3A_311 = vector.broadcast %add3A_310 : f32 to vector<16xf32>
    %add3A_312 = arith.addf %mul3A_309, %add3A_311 : vector<16xf32>
    %mul3A_313 = arith.constant 5.625000e-01 : f32
    %mul3A_314 = vector.broadcast %mul3A_313 : f32 to vector<16xf32>
    %mul3A_315 = arith.mulf %mul3A_314, %mul3A_270 : vector<16xf32>
    %add3A_316 = arith.constant 5.625000e-01 : f32
    %add3A_317 = vector.broadcast %add3A_316 : f32 to vector<16xf32>
    %add3A_318 = arith.addf %mul3A_315, %add3A_317 : vector<16xf32>
    %mul3A_319 = arith.mulf %add3A_318, %mul3A_270 : vector<16xf32>
    %add3A_320 = arith.constant -6.250000e-02 : f32
    %add3A_321 = vector.broadcast %add3A_320 : f32 to vector<16xf32>
    %add3A_322 = arith.addf %mul3A_319, %add3A_321 : vector<16xf32>
    %mul3A_323 = arith.mulf %add3A_322, %mul3A_270 : vector<16xf32>
    %add3A_324 = arith.constant -6.250000e-02 : f32
    %add3A_325 = vector.broadcast %add3A_324 : f32 to vector<16xf32>
    %add3A_326 = arith.addf %mul3A_323, %add3A_325 : vector<16xf32>
    tpu.wait_dma2 semaphore(%arg11 : memref<!tpu.dma_semaphore, #tpu.memory_space<semaphore_mem>>) src(%arg3 : memref<6176xf32, #tpu.memory_space<hbm>>) dst(%arg7 : memref<6176xf32, #tpu.memory_space<vmem>>)
    tpu.wait_dma2 semaphore(%arg12 : memref<!tpu.dma_semaphore, #tpu.memory_space<semaphore_mem>>) src(%arg4 : memref<6176xf32, #tpu.memory_space<hbm>>) dst(%arg8 : memref<6176xf32, #tpu.memory_space<vmem>>)
    %broadcast_in_dim3A = arith.constant 0.000000e+00 : f32
    %broadcast_in_dim3A_327 = vector.broadcast %broadcast_in_dim3A : f32 to vector<16xf32>
    %broadcast_in_dim3A_328 = arith.constant 0.000000e+00 : f32
    %broadcast_in_dim3A_329 = vector.broadcast %broadcast_in_dim3A_328 : f32 to vector<16xf32>
    %broadcast_in_dim3A_330 = arith.constant 0.000000e+00 : f32
    %broadcast_in_dim3A_331 = vector.broadcast %broadcast_in_dim3A_330 : f32 to vector<16xf32>
    %broadcast_in_dim3A_332 = arith.constant 0.000000e+00 : f32
    %broadcast_in_dim3A_333 = vector.broadcast %broadcast_in_dim3A_332 : f32 to vector<16xf32>
    %scan3A = arith.constant 0 : i32
    %scan3A_334 = arith.constant 32 : i32
    %scan3A_335 = arith.addi %scan3A, %scan3A_334 : i32
    %scan3A_336 = arith.constant 1 : i32
    %scan3A_337:4 = scf.for %scan3A_346 = %scan3A to %scan3A_335 step %scan3A_336 iter_args(%scan3A_347 = %broadcast_in_dim3A_327, %scan3A_348 = %broadcast_in_dim3A_329, %scan3A_349 = %broadcast_in_dim3A_331, %scan3A_350 = %broadcast_in_dim3A_333) -> (vector<16xf32>, vector<16xf32>, vector<16xf32>, vector<16xf32>)  : i32 {
      %mul3A_351 = arith.constant 193 : i32
      %mul3A_352 = arith.muli %scan3A_346, %mul3A_351 : i32
      %add3A_353 = vector.broadcast %mul3A_352 : i32 to vector<16xi32>
      %add3A_354 = arith.addi %mul3A_17, %add3A_353 : vector<16xi32>
      %gather3A = tpu.vector_load_idx %arg7[%add3A_354] : memref<6176xf32, #tpu.memory_space<vmem>>[vector<16xi32>], vector<16xf32>,
      %mul3A_355 = arith.mulf %add3A_38, %gather3A : vector<16xf32>
      %add3A_356 = arith.constant 1 : i32
      %add3A_357 = vector.broadcast %add3A_356 : i32 to vector<16xi32>
      %add3A_358 = arith.addi %add3A_354, %add3A_357 : vector<16xi32>
      %gather3A_359 = tpu.vector_load_idx %arg7[%add3A_358] : memref<6176xf32, #tpu.memory_space<vmem>>[vector<16xi32>], vector<16xf32>,
      %mul3A_360 = arith.mulf %add3A_52, %gather3A_359 : vector<16xf32>
      %add3A_361 = arith.addf %mul3A_355, %mul3A_360 : vector<16xf32>
      %add3A_362 = arith.constant 2 : i32
      %add3A_363 = vector.broadcast %add3A_362 : i32 to vector<16xi32>
      %add3A_364 = arith.addi %add3A_354, %add3A_363 : vector<16xi32>
      %gather3A_365 = tpu.vector_load_idx %arg7[%add3A_364] : memref<6176xf32, #tpu.memory_space<vmem>>[vector<16xi32>], vector<16xf32>,
      %mul3A_366 = arith.mulf %add3A_66, %gather3A_365 : vector<16xf32>
      %add3A_367 = arith.addf %add3A_361, %mul3A_366 : vector<16xf32>
      %add3A_368 = arith.constant 3 : i32
      %add3A_369 = vector.broadcast %add3A_368 : i32 to vector<16xi32>
      %add3A_370 = arith.addi %add3A_354, %add3A_369 : vector<16xi32>
      %gather3A_371 = tpu.vector_load_idx %arg7[%add3A_370] : memref<6176xf32, #tpu.memory_space<vmem>>[vector<16xi32>], vector<16xf32>,
      %mul3A_372 = arith.mulf %add3A_80, %gather3A_371 : vector<16xf32>
      %add3A_373 = arith.addf %add3A_367, %mul3A_372 : vector<16xf32>
      %mul3A_374 = arith.constant 1.920000e+02 : f32
      %mul3A_375 = vector.broadcast %mul3A_374 : f32 to vector<16xf32>
      %mul3A_376 = arith.mulf %add3A_373, %mul3A_375 : vector<16xf32>
      %mul3A_377 = arith.constant 0.333333343 : f32
      %mul3A_378 = vector.broadcast %mul3A_377 : f32 to vector<16xf32>
      %mul3A_379 = arith.mulf %mul3A_376, %mul3A_378 : vector<16xf32>
      %convert_element_type3A_380 = arith.fptosi %mul3A_379 : vector<16xf32> to vector<16xi32>
      %jit3A_381 = arith.constant 0 : i32
      %jit3A_382 = arith.constant 63 : i32
      %max3A_383 = vector.broadcast %jit3A_381 : i32 to vector<16xi32>
      %max3A_384 = arith.maxsi %max3A_383, %convert_element_type3A_380 : vector<16xi32>
      %min3A_385 = vector.broadcast %jit3A_382 : i32 to vector<16xi32>
      %min3A_386 = arith.minsi %min3A_385, %max3A_384 : vector<16xi32>
      %mul3A_387 = arith.constant 3 : i32
      %mul3A_388 = vector.broadcast %mul3A_387 : i32 to vector<16xi32>
      %mul3A_389 = arith.muli %min3A_386, %mul3A_388 : vector<16xi32>
      %convert_element_type3A_390 = arith.sitofp %mul3A_389 : vector<16xi32> to vector<16xf32>
      %add3A_391 = arith.constant 1.500000e+00 : f32
      %add3A_392 = vector.broadcast %add3A_391 : f32 to vector<16xf32>
      %add3A_393 = arith.addf %convert_element_type3A_390, %add3A_392 : vector<16xf32>
      %sub3A_394 = arith.subf %mul3A_376, %add3A_393 : vector<16xf32>
      %mul3A_395 = arith.constant 0.666666686 : f32
      %mul3A_396 = vector.broadcast %mul3A_395 : f32 to vector<16xf32>
      %mul3A_397 = arith.mulf %sub3A_394, %mul3A_396 : vector<16xf32>
      %add3A_398 = vector.broadcast %mul3A_352 : i32 to vector<16xi32>
      %add3A_399 = arith.addi %mul3A_389, %add3A_398 : vector<16xi32>
      %gather3A_400 = tpu.vector_load_idx %arg8[%add3A_399] : memref<6176xf32, #tpu.memory_space<vmem>>[vector<16xi32>], vector<16xf32>,
      %add3A_401 = arith.constant 1 : i32
      %add3A_402 = vector.broadcast %add3A_401 : i32 to vector<16xi32>
      %add3A_403 = arith.addi %add3A_399, %add3A_402 : vector<16xi32>
      %gather3A_404 = tpu.vector_load_idx %arg8[%add3A_403] : memref<6176xf32, #tpu.memory_space<vmem>>[vector<16xi32>], vector<16xf32>,
      %add3A_405 = arith.constant 2 : i32
      %add3A_406 = vector.broadcast %add3A_405 : i32 to vector<16xi32>
      %add3A_407 = arith.addi %add3A_399, %add3A_406 : vector<16xi32>
      %gather3A_408 = tpu.vector_load_idx %arg8[%add3A_407] : memref<6176xf32, #tpu.memory_space<vmem>>[vector<16xi32>], vector<16xf32>,
      %add3A_409 = arith.constant 3 : i32
      %add3A_410 = vector.broadcast %add3A_409 : i32 to vector<16xi32>
      %add3A_411 = arith.addi %add3A_399, %add3A_410 : vector<16xi32>
      %gather3A_412 = tpu.vector_load_idx %arg8[%add3A_411] : memref<6176xf32, #tpu.memory_space<vmem>>[vector<16xi32>], vector<16xf32>,
      %mul3A_413 = arith.mulf %mul3A_397, %mul3A_397 : vector<16xf32>
      %mul3A_414 = arith.constant 5.625000e-01 : f32
      %mul3A_415 = vector.broadcast %mul3A_414 : f32 to vector<16xf32>
      %mul3A_416 = arith.mulf %mul3A_415, %mul3A_413 : vector<16xf32>
      %sub3A_417 = arith.constant 6.250000e-02 : f32
      %sub3A_418 = vector.broadcast %sub3A_417 : f32 to vector<16xf32>
      %sub3A_419 = arith.subf %mul3A_416, %sub3A_418 : vector<16xf32>
      %mul3A_420 = arith.constant 5.625000e-01 : f32
      %mul3A_421 = vector.broadcast %mul3A_420 : f32 to vector<16xf32>
      %mul3A_422 = arith.mulf %mul3A_421, %mul3A_413 : vector<16xf32>
      %sub3A_423 = arith.constant 5.625000e-01 : f32
      %sub3A_424 = vector.broadcast %sub3A_423 : f32 to vector<16xf32>
      %sub3A_425 = arith.subf %sub3A_424, %mul3A_422 : vector<16xf32>
      %mul3A_426 = arith.mulf %mul3A_397, %sub3A_419 : vector<16xf32>
      %mul3A_427 = arith.mulf %mul3A_397, %sub3A_425 : vector<16xf32>
      %mul3A_428 = arith.constant 3.000000e+00 : f32
      %mul3A_429 = vector.broadcast %mul3A_428 : f32 to vector<16xf32>
      %mul3A_430 = arith.mulf %mul3A_429, %mul3A_427 : vector<16xf32>
      %add3A_431 = arith.addf %gather3A_400, %gather3A_412 : vector<16xf32>
      %mul3A_432 = arith.mulf %sub3A_419, %add3A_431 : vector<16xf32>
      %sub3A_433 = arith.subf %gather3A_412, %gather3A_400 : vector<16xf32>
      %mul3A_434 = arith.mulf %mul3A_426, %sub3A_433 : vector<16xf32>
      %add3A_435 = arith.addf %mul3A_432, %mul3A_434 : vector<16xf32>
      %add3A_436 = arith.addf %gather3A_404, %gather3A_408 : vector<16xf32>
      %mul3A_437 = arith.mulf %sub3A_425, %add3A_436 : vector<16xf32>
      %add3A_438 = arith.addf %add3A_435, %mul3A_437 : vector<16xf32>
      %sub3A_439 = arith.subf %gather3A_408, %gather3A_404 : vector<16xf32>
      %mul3A_440 = arith.mulf %mul3A_430, %sub3A_439 : vector<16xf32>
      %add3A_441 = arith.addf %add3A_438, %mul3A_440 : vector<16xf32>
      %add3A_442 = arith.addf %scan3A_347, %add3A_441 : vector<16xf32>
      %add3A_443 = vector.broadcast %mul3A_352 : i32 to vector<16xi32>
      %add3A_444 = arith.addi %mul3A_98, %add3A_443 : vector<16xi32>
      %gather3A_445 = tpu.vector_load_idx %arg7[%add3A_444] : memref<6176xf32, #tpu.memory_space<vmem>>[vector<16xi32>], vector<16xf32>,
      %mul3A_446 = arith.mulf %add3A_120, %gather3A_445 : vector<16xf32>
      %add3A_447 = arith.constant 1 : i32
      %add3A_448 = vector.broadcast %add3A_447 : i32 to vector<16xi32>
      %add3A_449 = arith.addi %add3A_444, %add3A_448 : vector<16xi32>
      %gather3A_450 = tpu.vector_load_idx %arg7[%add3A_449] : memref<6176xf32, #tpu.memory_space<vmem>>[vector<16xi32>], vector<16xf32>,
      %mul3A_451 = arith.mulf %add3A_134, %gather3A_450 : vector<16xf32>
      %add3A_452 = arith.addf %mul3A_446, %mul3A_451 : vector<16xf32>
      %add3A_453 = arith.constant 2 : i32
      %add3A_454 = vector.broadcast %add3A_453 : i32 to vector<16xi32>
      %add3A_455 = arith.addi %add3A_444, %add3A_454 : vector<16xi32>
      %gather3A_456 = tpu.vector_load_idx %arg7[%add3A_455] : memref<6176xf32, #tpu.memory_space<vmem>>[vector<16xi32>], vector<16xf32>,
      %mul3A_457 = arith.mulf %add3A_148, %gather3A_456 : vector<16xf32>
      %add3A_458 = arith.addf %add3A_452, %mul3A_457 : vector<16xf32>
      %add3A_459 = arith.constant 3 : i32
      %add3A_460 = vector.broadcast %add3A_459 : i32 to vector<16xi32>
      %add3A_461 = arith.addi %add3A_444, %add3A_460 : vector<16xi32>
      %gather3A_462 = tpu.vector_load_idx %arg7[%add3A_461] : memref<6176xf32, #tpu.memory_space<vmem>>[vector<16xi32>], vector<16xf32>,
      %mul3A_463 = arith.mulf %add3A_162, %gather3A_462 : vector<16xf32>
      %add3A_464 = arith.addf %add3A_458, %mul3A_463 : vector<16xf32>
      %mul3A_465 = arith.constant 1.920000e+02 : f32
      %mul3A_466 = vector.broadcast %mul3A_465 : f32 to vector<16xf32>
      %mul3A_467 = arith.mulf %add3A_464, %mul3A_466 : vector<16xf32>
      %mul3A_468 = arith.constant 0.333333343 : f32
      %mul3A_469 = vector.broadcast %mul3A_468 : f32 to vector<16xf32>
      %mul3A_470 = arith.mulf %mul3A_467, %mul3A_469 : vector<16xf32>
      %convert_element_type3A_471 = arith.fptosi %mul3A_470 : vector<16xf32> to vector<16xi32>
      %jit3A_472 = arith.constant 0 : i32
      %jit3A_473 = arith.constant 63 : i32
      %max3A_474 = vector.broadcast %jit3A_472 : i32 to vector<16xi32>
      %max3A_475 = arith.maxsi %max3A_474, %convert_element_type3A_471 : vector<16xi32>
      %min3A_476 = vector.broadcast %jit3A_473 : i32 to vector<16xi32>
      %min3A_477 = arith.minsi %min3A_476, %max3A_475 : vector<16xi32>
      %mul3A_478 = arith.constant 3 : i32
      %mul3A_479 = vector.broadcast %mul3A_478 : i32 to vector<16xi32>
      %mul3A_480 = arith.muli %min3A_477, %mul3A_479 : vector<16xi32>
      %convert_element_type3A_481 = arith.sitofp %mul3A_480 : vector<16xi32> to vector<16xf32>
      %add3A_482 = arith.constant 1.500000e+00 : f32
      %add3A_483 = vector.broadcast %add3A_482 : f32 to vector<16xf32>
      %add3A_484 = arith.addf %convert_element_type3A_481, %add3A_483 : vector<16xf32>
      %sub3A_485 = arith.subf %mul3A_467, %add3A_484 : vector<16xf32>
      %mul3A_486 = arith.constant 0.666666686 : f32
      %mul3A_487 = vector.broadcast %mul3A_486 : f32 to vector<16xf32>
      %mul3A_488 = arith.mulf %sub3A_485, %mul3A_487 : vector<16xf32>
      %add3A_489 = vector.broadcast %mul3A_352 : i32 to vector<16xi32>
      %add3A_490 = arith.addi %mul3A_480, %add3A_489 : vector<16xi32>
      %gather3A_491 = tpu.vector_load_idx %arg8[%add3A_490] : memref<6176xf32, #tpu.memory_space<vmem>>[vector<16xi32>], vector<16xf32>,
      %add3A_492 = arith.constant 1 : i32
      %add3A_493 = vector.broadcast %add3A_492 : i32 to vector<16xi32>
      %add3A_494 = arith.addi %add3A_490, %add3A_493 : vector<16xi32>
      %gather3A_495 = tpu.vector_load_idx %arg8[%add3A_494] : memref<6176xf32, #tpu.memory_space<vmem>>[vector<16xi32>], vector<16xf32>,
      %add3A_496 = arith.constant 2 : i32
      %add3A_497 = vector.broadcast %add3A_496 : i32 to vector<16xi32>
      %add3A_498 = arith.addi %add3A_490, %add3A_497 : vector<16xi32>
      %gather3A_499 = tpu.vector_load_idx %arg8[%add3A_498] : memref<6176xf32, #tpu.memory_space<vmem>>[vector<16xi32>], vector<16xf32>,
      %add3A_500 = arith.constant 3 : i32
      %add3A_501 = vector.broadcast %add3A_500 : i32 to vector<16xi32>
      %add3A_502 = arith.addi %add3A_490, %add3A_501 : vector<16xi32>
      %gather3A_503 = tpu.vector_load_idx %arg8[%add3A_502] : memref<6176xf32, #tpu.memory_space<vmem>>[vector<16xi32>], vector<16xf32>,
      %mul3A_504 = arith.mulf %mul3A_488, %mul3A_488 : vector<16xf32>
      %mul3A_505 = arith.constant 5.625000e-01 : f32
      %mul3A_506 = vector.broadcast %mul3A_505 : f32 to vector<16xf32>
      %mul3A_507 = arith.mulf %mul3A_506, %mul3A_504 : vector<16xf32>
      %sub3A_508 = arith.constant 6.250000e-02 : f32
      %sub3A_509 = vector.broadcast %sub3A_508 : f32 to vector<16xf32>
      %sub3A_510 = arith.subf %mul3A_507, %sub3A_509 : vector<16xf32>
      %mul3A_511 = arith.constant 5.625000e-01 : f32
      %mul3A_512 = vector.broadcast %mul3A_511 : f32 to vector<16xf32>
      %mul3A_513 = arith.mulf %mul3A_512, %mul3A_504 : vector<16xf32>
      %sub3A_514 = arith.constant 5.625000e-01 : f32
      %sub3A_515 = vector.broadcast %sub3A_514 : f32 to vector<16xf32>
      %sub3A_516 = arith.subf %sub3A_515, %mul3A_513 : vector<16xf32>
      %mul3A_517 = arith.mulf %mul3A_488, %sub3A_510 : vector<16xf32>
      %mul3A_518 = arith.mulf %mul3A_488, %sub3A_516 : vector<16xf32>
      %mul3A_519 = arith.constant 3.000000e+00 : f32
      %mul3A_520 = vector.broadcast %mul3A_519 : f32 to vector<16xf32>
      %mul3A_521 = arith.mulf %mul3A_520, %mul3A_518 : vector<16xf32>
      %add3A_522 = arith.addf %gather3A_491, %gather3A_503 : vector<16xf32>
      %mul3A_523 = arith.mulf %sub3A_510, %add3A_522 : vector<16xf32>
      %sub3A_524 = arith.subf %gather3A_503, %gather3A_491 : vector<16xf32>
      %mul3A_525 = arith.mulf %mul3A_517, %sub3A_524 : vector<16xf32>
      %add3A_526 = arith.addf %mul3A_523, %mul3A_525 : vector<16xf32>
      %add3A_527 = arith.addf %gather3A_495, %gather3A_499 : vector<16xf32>
      %mul3A_528 = arith.mulf %sub3A_516, %add3A_527 : vector<16xf32>
      %add3A_529 = arith.addf %add3A_526, %mul3A_528 : vector<16xf32>
      %sub3A_530 = arith.subf %gather3A_499, %gather3A_495 : vector<16xf32>
      %mul3A_531 = arith.mulf %mul3A_521, %sub3A_530 : vector<16xf32>
      %add3A_532 = arith.addf %add3A_529, %mul3A_531 : vector<16xf32>
      %add3A_533 = arith.addf %scan3A_348, %add3A_532 : vector<16xf32>
      %add3A_534 = vector.broadcast %mul3A_352 : i32 to vector<16xi32>
      %add3A_535 = arith.addi %mul3A_180, %add3A_534 : vector<16xi32>
      %gather3A_536 = tpu.vector_load_idx %arg7[%add3A_535] : memref<6176xf32, #tpu.memory_space<vmem>>[vector<16xi32>], vector<16xf32>,
      %mul3A_537 = arith.mulf %add3A_202, %gather3A_536 : vector<16xf32>
      %add3A_538 = arith.constant 1 : i32
      %add3A_539 = vector.broadcast %add3A_538 : i32 to vector<16xi32>
      %add3A_540 = arith.addi %add3A_535, %add3A_539 : vector<16xi32>
      %gather3A_541 = tpu.vector_load_idx %arg7[%add3A_540] : memref<6176xf32, #tpu.memory_space<vmem>>[vector<16xi32>], vector<16xf32>,
      %mul3A_542 = arith.mulf %add3A_216, %gather3A_541 : vector<16xf32>
      %add3A_543 = arith.addf %mul3A_537, %mul3A_542 : vector<16xf32>
      %add3A_544 = arith.constant 2 : i32
      %add3A_545 = vector.broadcast %add3A_544 : i32 to vector<16xi32>
      %add3A_546 = arith.addi %add3A_535, %add3A_545 : vector<16xi32>
      %gather3A_547 = tpu.vector_load_idx %arg7[%add3A_546] : memref<6176xf32, #tpu.memory_space<vmem>>[vector<16xi32>], vector<16xf32>,
      %mul3A_548 = arith.mulf %add3A_230, %gather3A_547 : vector<16xf32>
      %add3A_549 = arith.addf %add3A_543, %mul3A_548 : vector<16xf32>
      %add3A_550 = arith.constant 3 : i32
      %add3A_551 = vector.broadcast %add3A_550 : i32 to vector<16xi32>
      %add3A_552 = arith.addi %add3A_535, %add3A_551 : vector<16xi32>
      %gather3A_553 = tpu.vector_load_idx %arg7[%add3A_552] : memref<6176xf32, #tpu.memory_space<vmem>>[vector<16xi32>], vector<16xf32>,
      %mul3A_554 = arith.mulf %add3A_244, %gather3A_553 : vector<16xf32>
      %add3A_555 = arith.addf %add3A_549, %mul3A_554 : vector<16xf32>
      %mul3A_556 = arith.constant 1.920000e+02 : f32
      %mul3A_557 = vector.broadcast %mul3A_556 : f32 to vector<16xf32>
      %mul3A_558 = arith.mulf %add3A_555, %mul3A_557 : vector<16xf32>
      %mul3A_559 = arith.constant 0.333333343 : f32
      %mul3A_560 = vector.broadcast %mul3A_559 : f32 to vector<16xf32>
      %mul3A_561 = arith.mulf %mul3A_558, %mul3A_560 : vector<16xf32>
      %convert_element_type3A_562 = arith.fptosi %mul3A_561 : vector<16xf32> to vector<16xi32>
      %jit3A_563 = arith.constant 0 : i32
      %jit3A_564 = arith.constant 63 : i32
      %max3A_565 = vector.broadcast %jit3A_563 : i32 to vector<16xi32>
      %max3A_566 = arith.maxsi %max3A_565, %convert_element_type3A_562 : vector<16xi32>
      %min3A_567 = vector.broadcast %jit3A_564 : i32 to vector<16xi32>
      %min3A_568 = arith.minsi %min3A_567, %max3A_566 : vector<16xi32>
      %mul3A_569 = arith.constant 3 : i32
      %mul3A_570 = vector.broadcast %mul3A_569 : i32 to vector<16xi32>
      %mul3A_571 = arith.muli %min3A_568, %mul3A_570 : vector<16xi32>
      %convert_element_type3A_572 = arith.sitofp %mul3A_571 : vector<16xi32> to vector<16xf32>
      %add3A_573 = arith.constant 1.500000e+00 : f32
      %add3A_574 = vector.broadcast %add3A_573 : f32 to vector<16xf32>
      %add3A_575 = arith.addf %convert_element_type3A_572, %add3A_574 : vector<16xf32>
      %sub3A_576 = arith.subf %mul3A_558, %add3A_575 : vector<16xf32>
      %mul3A_577 = arith.constant 0.666666686 : f32
      %mul3A_578 = vector.broadcast %mul3A_577 : f32 to vector<16xf32>
      %mul3A_579 = arith.mulf %sub3A_576, %mul3A_578 : vector<16xf32>
      %add3A_580 = vector.broadcast %mul3A_352 : i32 to vector<16xi32>
      %add3A_581 = arith.addi %mul3A_571, %add3A_580 : vector<16xi32>
      %gather3A_582 = tpu.vector_load_idx %arg8[%add3A_581] : memref<6176xf32, #tpu.memory_space<vmem>>[vector<16xi32>], vector<16xf32>,
      %add3A_583 = arith.constant 1 : i32
      %add3A_584 = vector.broadcast %add3A_583 : i32 to vector<16xi32>
      %add3A_585 = arith.addi %add3A_581, %add3A_584 : vector<16xi32>
      %gather3A_586 = tpu.vector_load_idx %arg8[%add3A_585] : memref<6176xf32, #tpu.memory_space<vmem>>[vector<16xi32>], vector<16xf32>,
      %add3A_587 = arith.constant 2 : i32
      %add3A_588 = vector.broadcast %add3A_587 : i32 to vector<16xi32>
      %add3A_589 = arith.addi %add3A_581, %add3A_588 : vector<16xi32>
      %gather3A_590 = tpu.vector_load_idx %arg8[%add3A_589] : memref<6176xf32, #tpu.memory_space<vmem>>[vector<16xi32>], vector<16xf32>,
      %add3A_591 = arith.constant 3 : i32
      %add3A_592 = vector.broadcast %add3A_591 : i32 to vector<16xi32>
      %add3A_593 = arith.addi %add3A_581, %add3A_592 : vector<16xi32>
      %gather3A_594 = tpu.vector_load_idx %arg8[%add3A_593] : memref<6176xf32, #tpu.memory_space<vmem>>[vector<16xi32>], vector<16xf32>,
      %mul3A_595 = arith.mulf %mul3A_579, %mul3A_579 : vector<16xf32>
      %mul3A_596 = arith.constant 5.625000e-01 : f32
      %mul3A_597 = vector.broadcast %mul3A_596 : f32 to vector<16xf32>
      %mul3A_598 = arith.mulf %mul3A_597, %mul3A_595 : vector<16xf32>
      %sub3A_599 = arith.constant 6.250000e-02 : f32
      %sub3A_600 = vector.broadcast %sub3A_599 : f32 to vector<16xf32>
      %sub3A_601 = arith.subf %mul3A_598, %sub3A_600 : vector<16xf32>
      %mul3A_602 = arith.constant 5.625000e-01 : f32
      %mul3A_603 = vector.broadcast %mul3A_602 : f32 to vector<16xf32>
      %mul3A_604 = arith.mulf %mul3A_603, %mul3A_595 : vector<16xf32>
      %sub3A_605 = arith.constant 5.625000e-01 : f32
      %sub3A_606 = vector.broadcast %sub3A_605 : f32 to vector<16xf32>
      %sub3A_607 = arith.subf %sub3A_606, %mul3A_604 : vector<16xf32>
      %mul3A_608 = arith.mulf %mul3A_579, %sub3A_601 : vector<16xf32>
      %mul3A_609 = arith.mulf %mul3A_579, %sub3A_607 : vector<16xf32>
      %mul3A_610 = arith.constant 3.000000e+00 : f32
      %mul3A_611 = vector.broadcast %mul3A_610 : f32 to vector<16xf32>
      %mul3A_612 = arith.mulf %mul3A_611, %mul3A_609 : vector<16xf32>
      %add3A_613 = arith.addf %gather3A_582, %gather3A_594 : vector<16xf32>
      %mul3A_614 = arith.mulf %sub3A_601, %add3A_613 : vector<16xf32>
      %sub3A_615 = arith.subf %gather3A_594, %gather3A_582 : vector<16xf32>
      %mul3A_616 = arith.mulf %mul3A_608, %sub3A_615 : vector<16xf32>
      %add3A_617 = arith.addf %mul3A_614, %mul3A_616 : vector<16xf32>
      %add3A_618 = arith.addf %gather3A_586, %gather3A_590 : vector<16xf32>
      %mul3A_619 = arith.mulf %sub3A_607, %add3A_618 : vector<16xf32>
      %add3A_620 = arith.addf %add3A_617, %mul3A_619 : vector<16xf32>
      %sub3A_621 = arith.subf %gather3A_590, %gather3A_586 : vector<16xf32>
      %mul3A_622 = arith.mulf %mul3A_612, %sub3A_621 : vector<16xf32>
      %add3A_623 = arith.addf %add3A_620, %mul3A_622 : vector<16xf32>
      %add3A_624 = arith.addf %scan3A_349, %add3A_623 : vector<16xf32>
      %add3A_625 = vector.broadcast %mul3A_352 : i32 to vector<16xi32>
      %add3A_626 = arith.addi %mul3A_262, %add3A_625 : vector<16xi32>
      %gather3A_627 = tpu.vector_load_idx %arg7[%add3A_626] : memref<6176xf32, #tpu.memory_space<vmem>>[vector<16xi32>], vector<16xf32>,
      %mul3A_628 = arith.mulf %add3A_284, %gather3A_627 : vector<16xf32>
      %add3A_629 = arith.constant 1 : i32
      %add3A_630 = vector.broadcast %add3A_629 : i32 to vector<16xi32>
      %add3A_631 = arith.addi %add3A_626, %add3A_630 : vector<16xi32>
      %gather3A_632 = tpu.vector_load_idx %arg7[%add3A_631] : memref<6176xf32, #tpu.memory_space<vmem>>[vector<16xi32>], vector<16xf32>,
      %mul3A_633 = arith.mulf %add3A_298, %gather3A_632 : vector<16xf32>
      %add3A_634 = arith.addf %mul3A_628, %mul3A_633 : vector<16xf32>
      %add3A_635 = arith.constant 2 : i32
      %add3A_636 = vector.broadcast %add3A_635 : i32 to vector<16xi32>
      %add3A_637 = arith.addi %add3A_626, %add3A_636 : vector<16xi32>
      %gather3A_638 = tpu.vector_load_idx %arg7[%add3A_637] : memref<6176xf32, #tpu.memory_space<vmem>>[vector<16xi32>], vector<16xf32>,
      %mul3A_639 = arith.mulf %add3A_312, %gather3A_638 : vector<16xf32>
      %add3A_640 = arith.addf %add3A_634, %mul3A_639 : vector<16xf32>
      %add3A_641 = arith.constant 3 : i32
      %add3A_642 = vector.broadcast %add3A_641 : i32 to vector<16xi32>
      %add3A_643 = arith.addi %add3A_626, %add3A_642 : vector<16xi32>
      %gather3A_644 = tpu.vector_load_idx %arg7[%add3A_643] : memref<6176xf32, #tpu.memory_space<vmem>>[vector<16xi32>], vector<16xf32>,
      %mul3A_645 = arith.mulf %add3A_326, %gather3A_644 : vector<16xf32>
      %add3A_646 = arith.addf %add3A_640, %mul3A_645 : vector<16xf32>
      %mul3A_647 = arith.constant 1.920000e+02 : f32
      %mul3A_648 = vector.broadcast %mul3A_647 : f32 to vector<16xf32>
      %mul3A_649 = arith.mulf %add3A_646, %mul3A_648 : vector<16xf32>
      %mul3A_650 = arith.constant 0.333333343 : f32
      %mul3A_651 = vector.broadcast %mul3A_650 : f32 to vector<16xf32>
      %mul3A_652 = arith.mulf %mul3A_649, %mul3A_651 : vector<16xf32>
      %convert_element_type3A_653 = arith.fptosi %mul3A_652 : vector<16xf32> to vector<16xi32>
      %jit3A_654 = arith.constant 0 : i32
      %jit3A_655 = arith.constant 63 : i32
      %max3A_656 = vector.broadcast %jit3A_654 : i32 to vector<16xi32>
      %max3A_657 = arith.maxsi %max3A_656, %convert_element_type3A_653 : vector<16xi32>
      %min3A_658 = vector.broadcast %jit3A_655 : i32 to vector<16xi32>
      %min3A_659 = arith.minsi %min3A_658, %max3A_657 : vector<16xi32>
      %mul3A_660 = arith.constant 3 : i32
      %mul3A_661 = vector.broadcast %mul3A_660 : i32 to vector<16xi32>
      %mul3A_662 = arith.muli %min3A_659, %mul3A_661 : vector<16xi32>
      %convert_element_type3A_663 = arith.sitofp %mul3A_662 : vector<16xi32> to vector<16xf32>
      %add3A_664 = arith.constant 1.500000e+00 : f32
      %add3A_665 = vector.broadcast %add3A_664 : f32 to vector<16xf32>
      %add3A_666 = arith.addf %convert_element_type3A_663, %add3A_665 : vector<16xf32>
      %sub3A_667 = arith.subf %mul3A_649, %add3A_666 : vector<16xf32>
      %mul3A_668 = arith.constant 0.666666686 : f32
      %mul3A_669 = vector.broadcast %mul3A_668 : f32 to vector<16xf32>
      %mul3A_670 = arith.mulf %sub3A_667, %mul3A_669 : vector<16xf32>
      %add3A_671 = vector.broadcast %mul3A_352 : i32 to vector<16xi32>
      %add3A_672 = arith.addi %mul3A_662, %add3A_671 : vector<16xi32>
      %gather3A_673 = tpu.vector_load_idx %arg8[%add3A_672] : memref<6176xf32, #tpu.memory_space<vmem>>[vector<16xi32>], vector<16xf32>,
      %add3A_674 = arith.constant 1 : i32
      %add3A_675 = vector.broadcast %add3A_674 : i32 to vector<16xi32>
      %add3A_676 = arith.addi %add3A_672, %add3A_675 : vector<16xi32>
      %gather3A_677 = tpu.vector_load_idx %arg8[%add3A_676] : memref<6176xf32, #tpu.memory_space<vmem>>[vector<16xi32>], vector<16xf32>,
      %add3A_678 = arith.constant 2 : i32
      %add3A_679 = vector.broadcast %add3A_678 : i32 to vector<16xi32>
      %add3A_680 = arith.addi %add3A_672, %add3A_679 : vector<16xi32>
      %gather3A_681 = tpu.vector_load_idx %arg8[%add3A_680] : memref<6176xf32, #tpu.memory_space<vmem>>[vector<16xi32>], vector<16xf32>,
      %add3A_682 = arith.constant 3 : i32
      %add3A_683 = vector.broadcast %add3A_682 : i32 to vector<16xi32>
      %add3A_684 = arith.addi %add3A_672, %add3A_683 : vector<16xi32>
      %gather3A_685 = tpu.vector_load_idx %arg8[%add3A_684] : memref<6176xf32, #tpu.memory_space<vmem>>[vector<16xi32>], vector<16xf32>,
      %mul3A_686 = arith.mulf %mul3A_670, %mul3A_670 : vector<16xf32>
      %mul3A_687 = arith.constant 5.625000e-01 : f32
      %mul3A_688 = vector.broadcast %mul3A_687 : f32 to vector<16xf32>
      %mul3A_689 = arith.mulf %mul3A_688, %mul3A_686 : vector<16xf32>
      %sub3A_690 = arith.constant 6.250000e-02 : f32
      %sub3A_691 = vector.broadcast %sub3A_690 : f32 to vector<16xf32>
      %sub3A_692 = arith.subf %mul3A_689, %sub3A_691 : vector<16xf32>
      %mul3A_693 = arith.constant 5.625000e-01 : f32
      %mul3A_694 = vector.broadcast %mul3A_693 : f32 to vector<16xf32>
      %mul3A_695 = arith.mulf %mul3A_694, %mul3A_686 : vector<16xf32>
      %sub3A_696 = arith.constant 5.625000e-01 : f32
      %sub3A_697 = vector.broadcast %sub3A_696 : f32 to vector<16xf32>
      %sub3A_698 = arith.subf %sub3A_697, %mul3A_695 : vector<16xf32>
      %mul3A_699 = arith.mulf %mul3A_670, %sub3A_692 : vector<16xf32>
      %mul3A_700 = arith.mulf %mul3A_670, %sub3A_698 : vector<16xf32>
      %mul3A_701 = arith.constant 3.000000e+00 : f32
      %mul3A_702 = vector.broadcast %mul3A_701 : f32 to vector<16xf32>
      %mul3A_703 = arith.mulf %mul3A_702, %mul3A_700 : vector<16xf32>
      %add3A_704 = arith.addf %gather3A_673, %gather3A_685 : vector<16xf32>
      %mul3A_705 = arith.mulf %sub3A_692, %add3A_704 : vector<16xf32>
      %sub3A_706 = arith.subf %gather3A_685, %gather3A_673 : vector<16xf32>
      %mul3A_707 = arith.mulf %mul3A_699, %sub3A_706 : vector<16xf32>
      %add3A_708 = arith.addf %mul3A_705, %mul3A_707 : vector<16xf32>
      %add3A_709 = arith.addf %gather3A_677, %gather3A_681 : vector<16xf32>
      %mul3A_710 = arith.mulf %sub3A_698, %add3A_709 : vector<16xf32>
      %add3A_711 = arith.addf %add3A_708, %mul3A_710 : vector<16xf32>
      %sub3A_712 = arith.subf %gather3A_681, %gather3A_677 : vector<16xf32>
      %mul3A_713 = arith.mulf %mul3A_703, %sub3A_712 : vector<16xf32>
      %add3A_714 = arith.addf %add3A_711, %mul3A_713 : vector<16xf32>
      %add3A_715 = arith.addf %scan3A_350, %add3A_714 : vector<16xf32>
      scf.yield %add3A_442, %add3A_533, %add3A_624, %add3A_715 : vector<16xf32>, vector<16xf32>, vector<16xf32>, vector<16xf32>
    }
    %scan3A_338 = arith.constant 32 : i32
    %swap3A = arith.constant 0 : index
    %swap3A_339 = tpu.vector_load %arg9[%swap3A] {strides = array<i32>} : memref<64xf32, #tpu.memory_space<vmem>>, vector<16xf32>,
    tpu.vector_store %arg9[%swap3A], %scan3A_337#0 {strides = array<i32>} : memref<64xf32, #tpu.memory_space<vmem>>, vector<16xf32>,
    %swap3A_340 = arith.constant 16 : index
    %swap3A_341 = tpu.vector_load %arg9[%swap3A_340] {strides = array<i32>} : memref<64xf32, #tpu.memory_space<vmem>>, vector<16xf32>,
    tpu.vector_store %arg9[%swap3A_340], %scan3A_337#1 {strides = array<i32>} : memref<64xf32, #tpu.memory_space<vmem>>, vector<16xf32>,
    %swap3A_342 = arith.constant 32 : index
    %swap3A_343 = tpu.vector_load %arg9[%swap3A_342] {strides = array<i32>} : memref<64xf32, #tpu.memory_space<vmem>>, vector<16xf32>,
    tpu.vector_store %arg9[%swap3A_342], %scan3A_337#2 {strides = array<i32>} : memref<64xf32, #tpu.memory_space<vmem>>, vector<16xf32>,
    %swap3A_344 = arith.constant 48 : index
    %swap3A_345 = tpu.vector_load %arg9[%swap3A_344] {strides = array<i32>} : memref<64xf32, #tpu.memory_space<vmem>>, vector<16xf32>,
    tpu.vector_store %arg9[%swap3A_344], %scan3A_337#3 {strides = array<i32>} : memref<64xf32, #tpu.memory_space<vmem>>, vector<16xf32>,
    "tpu.region"() ({
      %run_scoped3A = tpu.sem_alloc : memref<!tpu.dma_semaphore, #tpu.memory_space<semaphore_mem>>
      %dma_start3A_346 = tpu.memref_slice %arg5[%mul3A_2] : memref<2048xf32, #tpu.memory_space<hbm>> -> memref<64xf32, #tpu.memory_space<hbm>>
      %dma_start3A_347 = tpu.memref_slice %arg5[%mul3A_2] : memref<2048xf32, #tpu.memory_space<hbm>> -> memref<64xf32, #tpu.memory_space<hbm>>
      tpu.enqueue_dma source(%arg9 : memref<64xf32, #tpu.memory_space<vmem>>) target(%dma_start3A_347 : memref<64xf32, #tpu.memory_space<hbm>>) target_semaphore(%run_scoped3A : memref<!tpu.dma_semaphore, #tpu.memory_space<semaphore_mem>>)
      %dma_wait3A_348 = tpu.memref_slice %arg5[%mul3A_2] : memref<2048xf32, #tpu.memory_space<hbm>> -> memref<64xf32, #tpu.memory_space<hbm>>
      %dma_wait3A_349 = tpu.memref_slice %arg5[%mul3A_2] : memref<2048xf32, #tpu.memory_space<hbm>> -> memref<64xf32, #tpu.memory_space<hbm>>
      tpu.wait_dma2 semaphore(%run_scoped3A : memref<!tpu.dma_semaphore, #tpu.memory_space<semaphore_mem>>) src(%arg9 : memref<64xf32, #tpu.memory_space<vmem>>) dst(%dma_wait3A_349 : memref<64xf32, #tpu.memory_space<hbm>>)
      tpu.yield
    }) : () -> ()
    return
  }
}

</mosaic_0001>

<sc_bundles>
// kernel: kernel.3.cloned.1.call-start
scs
__scs_entry_jumppad:
0x0: {  	(pc) =	sbr.rel $0x88, $3  }
0x1: {  	(tag) =	ssettag $0x0;
	lr =	simm.s32 $0x1  }
0x2: {  	[smem:$0x3F9E] =	sst lr;
	_ =	strace $0xD0000000  }
0x3: {  	_ = 	snop  }
0x4: {  	_ = 	snop  }
0x5: {  	_ = 	snop  }
0x6: {  	_ = 	snop  }
0x7: {  	_ = 	snop  }
__scs_overlays_trampoline_lowered:
0x8: {  	[smem:$0x3FAD] =	sst s0  }
0x9: {  	[smem:$0x3FAE] =	sst s1  }
0xa: {  	[smem:$0x3FAF] =	sst s2  }
0xb: {  	[smem:$0x3FB0] =	sst s3  }
0xc: {  	[smem:$0x3FB1] =	sst s4  }
0xd: {  	[smem:$0x3FB2] =	sst s5  }
0xe: {  	[smem:$0x3FB3] =	sst s6  }
0xf: {  	[smem:$0x3FB4] =	sst s7  }
0x10: {  	[smem:$0x3FB5] =	sst s8  }
0x11: {  	[smem:$0x3FB6] =	sst s9;
	s0 =	simm.s32 @!p0 $0x0  }
0x12: {  	s1 =	sld [smem:$0x3F9C];
	s0 =	simm.s32 @p0 $0x1  }
0x13: {  	[smem:$0x3FB7] =	sst s0;
	s0 =	simm.s32 @!p1 $0x0  }
0x14: {  	s2 =	sld [smem:$0x3F9B];
	s0 =	simm.s32 @p1 $0x1  }
0x15: {  	[smem:$0x3FB8] =	sst s0;
	s0 =	simm.s32 @!p2 $0x0  }
0x16: {  	s3 =	sld [smem:$0x3FDB];
	s0 =	simm.s32 @p2 $0x1  }
0x17: {  	s4 =	simm.s32 $0x1BF5;
	[smem:$0x3FBA] =	sst s0  }
0x18: {  	s0 =	sld [smem:$0x3F9D];
	_ =	swait.ge [sflag:s4], $0x0  }
0x19: {  	s7 =	sld [smem:$0x3F9E]  }
0x1a: {  	s8 =	sadd.s32 $0xFFFFE003, lr  }
0x1b: {  	s9 =	sadd.s32 $0xFFFFFEF7, lr;
	s5 =	simm.s32 $0xFFFFFFFF;
	p2 =	slt.u32 s8, $0xFFFFF086  }
0x1c: {  	p1 =	slt.u32 s9, $0xF7A;
	s5 =	simm.s32 @!p2 $0x0  }
0x1d: {  	s5 =	simm.s32 @p1 $0x1;
	p0 =	seq.s32 s7, s2  }
0x1e: {  	s7 =	smul.u32 @!p0 $0xF7A, s2;
	p2 =	seq.s32 @!p0 s5, $0x0  }
0x1f: {  	s9 =	smul.u32 $0xF7A, s1;
	s8 =	simm.s32 @!p0 $0x1BF5;
	p2 =	por !p2, p0  }
0x20: {  	[sflag:s8] =	ssyncset.s32 @!p0 $0xFFFFF086;
	s6 =	sadd.s32 @!p0 s3, s7;
	s7 =	simm.s32 @!p0 $0x108  }
0x21: {  	s3 =	sadd.s32 s3, s9;
	s6 =	sadd.s32 @!p0 $0x88, s6;
	s7 =	simm.s32 @p2 $0x1082  }
0x22: {  	[simem:s7], [sflag:s8] =	dma.local @!p0 [hbm:s6], $0xF7A  }
0x23: {  	s9 =	sor.u32 $0xD0000000, s2;
	s6 =	simm.s32 $0x108;
	_ =	swait.ge @!p0 [sflag:s8], $0x0  }
0x24: {  	s3 =	sadd.s32 $0x88, s3;
	s6 =	simm.s32 @!p1 $0x1082;
	[sflag:s4] =	ssyncset.s32 $0xFFFFF086  }
0x25: {  	[simem:s6], [sflag:s4] =	dma.local [hbm:s3], $0xF7A  }
0x26: {  	[smem:$0x3F9E] =	sst s1;
	(tag) =	ssettag s2;
	_ =	strace s9  }
0x27: {  	s1 =	sld [smem:$0x3FAE]  }
0x28: {  	s2 =	sld [smem:$0x3FAF]  }
0x29: {  	s4 =	sld [smem:$0x3FB1]  }
0x2a: {  	p0 =	seq.s32 s5, $0x0;
	s5 =	sld [smem:$0x3FB2]  }
0x2b: {  	s6 =	sld [smem:$0x3FB3]  }
0x2c: {  	s7 =	sld [smem:$0x3FB4]  }
0x2d: {  	s3 =	simm.s32 $0x108;
	s8 =	sld [smem:$0x3FB5]  }
0x2e: {  	s3 =	simm.s32 @!p0 $0x1082;
	s9 =	sld [smem:$0x3FB6]  }
0x2f: {  	lr =	sadd.s32 s0, s3;
	s0 =	sld [smem:$0x3FAD]  }
0x30: {  	s3 =	sld [smem:$0x3FB0]  }
0x31: {  	[smem:$0x3FB9] =	sst s10  }
0x32: {  	s10 =	sld [smem:$0x3FB7];
	_ =	sdelay $0x3  }
0x33: {  	p0 =	seq.s32 s10, $0x1;
	s10 =	sld [smem:$0x3FB9];
	_ =	sdelay $0x3  }
0x34: {  	[smem:$0x3FB9] =	sst s10  }
0x35: {  	s10 =	sld [smem:$0x3FB8];
	_ =	sdelay $0x3  }
0x36: {  	p1 =	seq.s32 s10, $0x1;
	s10 =	sld [smem:$0x3FB9];
	_ =	sdelay $0x3  }
0x37: {  	[smem:$0x3FB9] =	sst s10  }
0x38: {  	s10 =	sld [smem:$0x3FBA]  }
0x39: {  	_ = 	snop;
	(pc) =	sbr.ind lr, $3  }
0x3a: {  	_ = 	snop  }
0x3b: {  	_ = 	snop  }
0x3c: {  	p2 =	seq.s32 s10, $0x1;
	s10 =	sld [smem:$0x3FB9]  }
0x3d: {  	_ =	shalt  }
0x3e: {  	_ =	shalt  }
0x3f: {  	_ =	shalt  }
0x40: {  	_ =	shalt  }
0x41: {  	_ =	shalt  }
0x42: {  	_ =	shalt  }
0x43: {  	_ =	shalt  }
0x44: {  	_ =	shalt  }
0x45: {  	_ =	shalt  }
0x46: {  	_ =	shalt  }
0x47: {  	_ =	shalt  }
0x48: {  	_ =	shalt  }
0x49: {  	_ =	shalt  }
0x4a: {  	_ =	shalt  }
0x4b: {  	_ =	shalt  }
0x4c: {  	_ =	shalt  }
0x4d: {  	_ =	shalt  }
0x4e: {  	_ =	shalt  }
0x4f: {  	_ =	shalt  }
0x50: {  	_ =	shalt  }
0x51: {  	_ =	shalt  }
0x52: {  	_ =	shalt  }
0x53: {  	_ =	shalt  }
0x54: {  	_ =	shalt  }
0x55: {  	_ =	shalt  }
0x56: {  	_ =	shalt  }
0x57: {  	_ =	shalt  }
0x58: {  	_ =	shalt  }
0x59: {  	_ =	shalt  }
0x5a: {  	_ =	shalt  }
0x5b: {  	_ =	shalt  }
0x5c: {  	_ =	shalt  }
0x5d: {  	_ =	shalt  }
0x5e: {  	_ =	shalt  }
0x5f: {  	_ =	shalt  }
0x60: {  	_ =	shalt  }
0x61: {  	_ =	shalt  }
0x62: {  	_ =	shalt  }
0x63: {  	_ =	shalt  }
0x64: {  	_ =	shalt  }
0x65: {  	_ =	shalt  }
0x66: {  	_ =	shalt  }
0x67: {  	_ =	shalt  }
0x68: {  	_ =	shalt  }
0x69: {  	_ =	shalt  }
0x6a: {  	_ =	shalt  }
0x6b: {  	_ =	shalt  }
0x6c: {  	_ =	shalt  }
0x6d: {  	_ =	shalt  }
0x6e: {  	_ =	shalt  }
0x6f: {  	_ =	shalt  }
0x70: {  	_ =	shalt  }
0x71: {  	_ =	shalt  }
0x72: {  	_ =	shalt  }
0x73: {  	_ =	shalt  }
0x74: {  	_ =	shalt  }
0x75: {  	_ =	shalt  }
0x76: {  	_ =	shalt  }
0x77: {  	_ =	shalt  }
0x78: {  	_ =	shalt  }
0x79: {  	_ =	shalt  }
0x7a: {  	_ =	shalt  }
0x7b: {  	_ =	shalt  }
0x7c: {  	_ =	shalt  }
0x7d: {  	_ =	shalt  }
0x7e: {  	_ =	shalt  }
0x7f: {  	_ =	shalt  }
0x80: {  	_ =	shalt  }
0x81: {  	_ =	shalt  }
0x82: {  	_ =	shalt  }
0x83: {  	_ =	shalt  }
0x84: {  	_ =	shalt  }
0x85: {  	_ =	shalt  }
0x86: {  	_ =	shalt  }
0x87: {  	_ =	shalt  }
.Lfunc_end0:
.L_simem_size_0:
called_computation_lowered:
.L_overlay_start_0:
0x88: {  	s2 =	sld [smem:$0x3FD9]  }
0x89: {  	s3 =	sld [smem:$0x3FFE];
	_ =	sdelay $0x1  }
0x8a: {  	s1 =	srdreg.scid  }
0x8b: {  	s0 =	sand.u32 $0x1, s1  }
0x8c: {  	s17 =	sshll.u32 s0, $0xA;
	s2 =	sadd.s32 s3, s2  }
0x8d: {  	s2 =	sadd.s32 s2, s17  }
0x8e: {  	[smem:$0x3FC5] =	sst s2  }
0x8f: {  	_ = 	snop  }
0x90: {  	s2 =	sld [smem:$0x3FC9]  }
0x91: {  	s18 =	sld [smem:$0x3FD0];
	(tm) =	ssettm $0x1  }
0x92: {  	s4 =	sld [smem:$0x3FFB];
	_ =	sdelay $0x3  }
0x93: {  	_ =	strace s4  }
0x94: {  	s4 =	sld [smem:$0x3FFC];
	_ =	sdelay $0x3  }
0x95: {  	_ =	strace s4  }
0x96: {  	s4 =	sld [smem:$0x3FFD];
	_ =	sdelay $0x3  }
0x97: {  	_ =	strace s4  }
0x98: {  	_ =	strace $0x8FFFFFFF  }
0x99: {  	s19 =	sld [smem:$0x3FDB];
	_ =	sdelay $0x1  }
0x9a: {  	s5 =	simm.s32 $_scs_section_size  }
0x9b: {  	s6 =	simm.s32 $_size__tile_overlayer_lowered;
	s7 =	simm.s32 $_tile_overlayer_lowered  }
0x9c: {  	s22 =	simm.s32 $0x1BFF;
	s21 =	sshll.u32 s7, $0x1;
	s4 =	sadd.s32 s5, s19  }
0x9d: {  	s8 =	simm.s32 $0x0;
	s20 =	sshll.u32 s6, $0x1;
	s6 =	sadd.s32 s21, s4  }
0x9e: {  	[timem:s8], [sflag:s22] =	dma.local [hbm:s6], s20  }
0x9f: {  	_ =	swait.ge [sflag:s22], s20  }
0xa0: {  	s5 =	ssub.s32 $0x0, s20;
	[sflag:s22] =	ssyncset.done $0x0  }
0xa1: {  	[sflag:s22] =	ssyncadd.s32 s5;
	_ =	sdelay $0x1  }
0xa2: {  	s23 =	simm.s32 $0x1B8B  }
0xa3: {  	_ =	swait.ge [sflag:s23], $0x1  }
0xa4: {  	[sflag:s23] =	ssyncset.done $0x0  }
0xa5: {  	s25 =	simm.s32 $0x1B8E;
	s24 =	sld [smem:$0x3FFE];
	[sflag:s23] =	ssyncadd.s32 $0xFFFFFFFF  }
0xa6: {  	s26 =	simm.s32 $execute0_lowered;
	[smem:$0x3FD2] =	sst s25  }
0xa7: {  	s6 =	sshll.u32 s26, $0x1;
	_ =	strace $0x80000046;
	[dreg:$0x1] =	wrdreg $0xFFFFFFFF  }
0xa8: {  	s28 =	simm.s32 $_size_execute0_lowered;
	s4 =	sadd.s32 s4, s6;
	[dreg:$0x0] =	wrdreg $0x0  }
0xa9: {  	s6 =	sshll.u32 s28, $0x1;
	[dreg:$0x2] =	wrdreg s4  }
0xaa: {  	[dreg:$0x3] =	wrdreg s6  }
0xab: {  	[dreg:$0x4] =	wrdreg $0xC0  }
0xac: {  	_ =	task [dreg:s8], $0x5FFFF  }
0xad: {  	[dreg:$0x1] =	wrdreg $0xFFFFFFFF  }
0xae: {  	[dreg:$0x0] =	wrdreg $0x60  }
0xaf: {  	[dreg:$0x2] =	wrdreg s2  }
0xb0: {  	[dreg:$0x3] =	wrdreg s24  }
0xb1: {  	[dreg:$0x4] =	wrdreg s18  }
0xb2: {  	[dreg:$0x5] =	wrdreg $0x9  }
0xb3: {  	_ =	task.clear_ibuf [dreg:s8], $0x6FFFF;
	_ =	strace $0x90000046  }
0xb4: {  	s29 =	simm.s32 $0x9;
	_ =	strace $0x80000048  }
0xb5: {  	_ =	swait.ge [sflag:s29], $0x1  }
0xb6: {  	[sflag:s29] =	ssyncadd.s32 $0xFFFFFFFF  }
0xb7: {  	_ =	strace $0x90000048  }
0xb8: {  	_ =	sfence  }
0xb9: {  	s30 =	sld [smem:$0x0];
	_ =	sdelay $0x2  }
0xba: {  	s31 =	sshll.u32 s1, $0xD;
	s1 =	sshrl.u32 s1, $0x2  }
0xbb: {  	s3 =	sand.u32 $0x4000, s31;
	s1 =	sadd.s32 s1, s30  }
0xbc: {  	s0 =	sor.u32 s3, s0;
	s1 =	sshll.u32 s1, $0x11  }
0xbd: {  	s0 =	sor.u32 s1, s0  }
0xbe: {  	s0 =	sadd.s32 $0x8F2B, s0  }
0xbf: {  	[sflag:s0] =	ssyncadd.remote.s32 $0x1  }
0xc0: {  	_ =	sfence.sel $0xFFFF  }
0xc1: {  	[dreg:$0x0] =	wrdreg $0xFFFFFFFF;
	(pc) =	sbr.abs _section_cstart, $3  }
0xc2: {  	[dreg:$0x1] =	wrdreg $0xFFFFFFFF  }
0xc3: {  	_ =	task.clear_ibuf [dreg:s8], $0x2FFFF;
	_ =	strace $0x9FFFFFFF  }
0xc4: {  	(tm) =	ssettm $0x7FFFFFFF  }
0xc5: {  	_ =	shalt  }
tec
execute0_lowered:
.L_overlay_start_1:
0x0: {  	(tag) =	ssettag $0x1  }
0x1: {  	s5 =	rddreg [dreg:$0x0]  }
0x2: {  	s4 =	rddreg [dreg:$0x1]  }
0x3: {  	s6 =	rddreg [dreg:$0x2]  }
0x4: {  	s0 =	rddreg [dreg:$0x3];
	s1 =	simm.s32 $0x0  }
0x5: {  	s7 =	srdreg.scid;
	s2 =	stileid.u32;
	s11 =	simm.s32 $0x2  }
0x6: {  	s12 =	simm.s32 $0x3;
	s13 =	simm.s32 $0x3180;
	s14 =	simm.s32 $0x4  }
0x7: {  	s15 =	simm.s32 $0x0;
	[smem:$0x7FF] =	sst s1;
	s3 =	sadd.s32 $0x600, s4  }
0x8: {  	s7 =	sand.u32 $0x1, s7;
	s9 =	sshll.u32 s2, $0x4;
	s4 =	sadd.s32 $0xA00, s4  }
0x9: {  	_ =	strace $0x80000047;
	s8 =	ssub.s32 $0x2, s7;
	s7 =	sshll.u32 s7, $0x3  }
0xa: {  	s10 =	sshrl.u32 s8, $0x1;
	s7 =	sor.u32 s7, s9;
	s9 =	simm.s32 $0x1900  }
0xb: {  	s8 =	ssub.s32 s8, s10;
	s5 =	sadd.s32 s5, s7;
	s6 =	sadd.s32 s6, s7  }
0xc: {  	s10 =	simm.s32 $0x1;
	s7 =	smax.u32 s8, $0x1;
	s8 =	simm.s32 $0x80  }
.LBB2_1:
0xd: {  	[tilespmem:s1], [sflag:$0x1] =	stream.linear.gather [hbm4b:s5+s1], $0x40, $0x38;
	[tilespmem:$0x3200] =	vst v63  }
0xe: {  	_ = 	snop  }
0xf: {  	[tilespmem:s8], [sflag:$0x2] =	stream.linear.gather [hbm4b:s3+s1], $0x1880, $0x38;
	[tilespmem:$0x3200] =	vst v63  }
0x10: {  	_ = 	snop  }
0x11: {  	[tilespmem:s9], [sflag:$0x3] =	stream.linear.gather [hbm4b:s4+s1], $0x1880, $0x38;
	[tilespmem:$0x3200] =	vst v63  }
0x12: {  	_ =	swait.ge [sflag:s10], $0x40  }
0x13: {  	[sflag:s10] =	ssyncset.done $0x0  }
0x14: {  	[sflag:s10] =	ssyncadd.s32 $0xFFFFFFC0  }
0x15: {  	v0 =	vld [tilespmem:$0x0];
	_ =	sdelay $0x4  }
0x16: {  	v1 =	vmul.f32 $1.920000000e+02, v0;
	_ =	sdelay $0x1  }
0x17: {  	v0 =	vmul.f32 $3.333333430e-01, v1;
	_ =	sdelay $0x1  }
0x18: {  	v2 =	vld [tilespmem:$0x10];
	v0 =	vtrunc.f32 v0  }
0x19: {  	v0 =	vcvt.f32.s32 v0;
	_ =	sdelay $0x1  }
0x1a: {  	vm0 =	vgt.s32 v0, $0x0  }
0x1b: {  	v0 =	vnsel vm0, $0x0, v0  }
0x1c: {  	v2 =	vmul.f32 $1.920000000e+02, v2;
	v0 =	vmin.u32 v0, $0x3F  }
0x1d: {  	v5 =	vld [tilespmem:$0x20];
	v0 =	vmul.u32 $0x3, v0  }
0x1e: {  	v4 =	vmul.f32 $3.333333430e-01, v2  }
0x1f: {  	v3 =	vcvt.s32.f32 v0  }
0x20: {  	v4 =	vtrunc.f32 v4  }
0x21: {  	v4 =	vcvt.f32.s32 v4;
	v3 =	vadd.f32 $1.500000000e+00, v3  }
0x22: {  	v5 =	vmul.f32 $1.920000000e+02, v5  }
0x23: {  	vm10 =	vgt.s32 v4, $0x0;
	v1 =	vsub.f32 v1, v3  }
0x24: {  	v7 =	vmul.f32 $3.333333430e-01, v5;
	v45 =	vnsel vm10, $0x0, v4  }
0x25: {  	v6 =	vmul.f32 $6.666666860e-01, v1;
	v1 =	vmin.u32 v45, $0x3F  }
0x26: {  	v7 =	vtrunc.f32 v7;
	v1 =	vmul.u32 $0x3, v1  }
0x27: {  	v7 =	vcvt.f32.s32 v7;
	v4 =	vmul.f32 $5.625000000e-01, v6  }
0x28: {  	v46 =	vmul.f32 $1.687500000e+00, v6;
	v8 =	vcvt.s32.f32 v1  }
0x29: {  	v9 =	vsub.f32 $5.625000000e-01, v4  }
0x2a: {  	vm11 =	vgt.s32 v7, $0x0;
	v10 =	vadd.f32 $-5.625000000e-01, v46;
	v8 =	vadd.f32 $1.500000000e+00, v8  }
0x2b: {  	v7 =	vnsel vm11, $0x0, v7;
	v9 =	vmul.f32 v9, v6  }
0x2c: {  	v3 =	vsub.f32 $-5.625000000e-01, v46;
	v10 =	vmul.f32 v10, v6;
	v2 =	vsub.f32 v2, v8;
	v8 =	vld [tilespmem:$0x30]  }
0x2d: {  	v47 =	vmin.u32 v7, $0x3F;
	v22 =	vadd.s32 s1, v0;
	v9 =	vadd.f32 $6.250000000e-02, v9  }
0x2e: {  	v3 =	vmul.f32 v3, v6;
	v10 =	vadd.f32 $-1.687500000e+00, v10;
	v11 =	vmul.f32 $6.666666860e-01, v2  }
0x2f: {  	v31 =	vadd.s32 $0x2, v22;
	v2 =	vmul.u32 $0x3, v47;
	v7 =	vmul.f32 v9, v6  }
0x30: {  	v9 =	vmul.f32 v10, v6;
	v10 =	vadd.f32 $1.687500000e+00, v3;
	v12 =	vmul.f32 $5.625000000e-01, v11  }
0x31: {  	v48 =	vadd.f32 $-6.250000000e-02, v7;
	v7 =	vcvt.s32.f32 v2;
	v13 =	vmul.f32 $1.920000000e+02, v8  }
0x32: {  	v8 =	vmul.f32 v10, v6;
	v10 =	vadd.f32 $5.625000000e-01, v4;
	v14 =	vsub.f32 $5.625000000e-01, v12  }
0x33: {  	v15 =	vmul.f32 $1.687500000e+00, v11;
	v7 =	vadd.f32 $1.500000000e+00, v7;
	v16 =	vmul.f32 $3.333333430e-01, v13  }
0x34: {  	v4 =	vadd.f32 $5.625000000e-01, v9;
	v9 =	vmul.f32 v10, v6;
	v10 =	vmul.f32 v14, v11  }
0x35: {  	v14 =	vadd.f32 $-5.625000000e-01, v15;
	v7 =	vsub.f32 v5, v7;
	v5 =	vtrunc.f32 v16  }
0x36: {  	v12 =	vadd.f32 $5.625000000e-01, v12;
	v9 =	vadd.f32 $-6.250000000e-02, v9;
	v16 =	vcvt.f32.s32 v5  }
0x37: {  	v5 =	vadd.f32 $5.625000000e-01, v8;
	v8 =	vmul.f32 v14, v11;
	v17 =	vmul.f32 $6.666666860e-01, v7  }
0x38: {  	v10 =	vadd.f32 $6.250000000e-02, v10;
	v7 =	vmul.f32 v9, v6;
	vm12 =	vgt.s32 v16, $0x0  }
0x39: {  	v6 =	vadd.f32 $-1.687500000e+00, v8;
	v14 =	vmul.f32 $5.625000000e-01, v17;
	v8 =	vnsel vm12, $0x0, v16  }
0x3a: {  	v9 =	vmul.f32 v10, v11;
	v10 =	vsub.f32 $-5.625000000e-01, v15;
	v8 =	vmin.u32 v8, $0x3F  }
0x3b: {  	v15 =	vmul.f32 v6, v11;
	v16 =	vsub.f32 $5.625000000e-01, v14;
	v6 =	vmul.u32 $0x3, v8  }
0x3c: {  	v12 =	vmul.f32 v12, v11;
	v39 =	vadd.f32 $-6.250000000e-02, v7;
	v10 =	vmul.f32 v10, v11  }
0x3d: {  	v7 =	vadd.f32 $-6.250000000e-02, v9;
	v9 =	vmul.f32 v16, v17;
	v16 =	vcvt.s32.f32 v6  }
0x3e: {  	v12 =	vadd.f32 $-6.250000000e-02, v12;
	v18 =	vmul.f32 $1.687500000e+00, v17;
	v14 =	vadd.f32 $5.625000000e-01, v14  }
0x3f: {  	v38 =	vadd.s32 $0x1, v22;
	v10 =	vadd.f32 $1.687500000e+00, v10;
	v16 =	vadd.f32 $1.500000000e+00, v16  }
0x40: {  	v23 =	vadd.s32 s1, v1;
	v40 =	vadd.f32 $5.625000000e-01, v15;
	v15 =	vadd.f32 $-5.625000000e-01, v18  }
0x41: {  	v14 =	vmul.f32 v14, v17;
	v10 =	vmul.f32 v10, v11;
	v13 =	vsub.f32 v13, v16  }
0x42: {  	_ =	swait.ge [sflag:s11], $0x1880;
	v11 =	vmul.f32 v12, v11;
	v19 =	vadd.f32 $6.250000000e-02, v9;
	v16 =	vsub.f32 $-5.625000000e-01, v18  }
0x43: {  	[sflag:s11] =	ssyncset.done $0x0;
	v27 =	vadd.s32 s1, v2;
	v15 =	vmul.f32 v15, v17;
	v13 =	vmul.f32 $6.666666860e-01, v13  }
0x44: {  	[sflag:s11] =	ssyncadd.s32 $0xFFFFE780;
	v34 =	vadd.s32 $0x1, v27;
	[tilespmem:$0x1FF90] =	vst v6;
	v12 =	vmul.f32 v19, v17;
	v16 =	vmul.f32 v16, v17  }
0x45: {  	_ =	swait.ge [sflag:s12], $0x1880;
	v18 =	vadd.s32 s1, v6;
	v19 =	vmul.f32 $5.625000000e-01, v13;
	v21 =	vmul.f32 $1.687500000e+00, v13  }
0x46: {  	[sflag:s12] =	ssyncset.done $0x0;
	v15 =	vadd.f32 $-1.687500000e+00, v15;
	v20 =	vadd.s32 $0x1, v18;
	v24 =	vadd.f32 $1.687500000e+00, v16  }
0x47: {  	[sflag:s12] =	ssyncadd.s32 $0xFFFFE780;
	v16 =	vadd.s32 $0x1, v23;
	v25 =	vsub.f32 $5.625000000e-01, v19;
	v26 =	vadd.f32 $-5.625000000e-01, v21  }
0x48: {  	v29 =	vadd.f32 $-6.250000000e-02, v14;
	v30 =	vld.idx.msk [tilespmem:v22+s8+$0x0], $0xffff;
	v28 =	vmul.f32 v15, v17;
	v14 =	vsub.f32 $-5.625000000e-01, v21  }
0x49: {  	v33 =	vld.idx.msk [tilespmem:v27+s8+$0x0], $0xffff;
	v15 =	vmul.f32 v25, v13;
	v25 =	vmul.f32 v26, v13;
	v26 =	vadd.s32 $0x2, v18  }
0x4a: {  	v52 =	vadd.s32 $0x2, v27;
	v21 =	vld.idx.msk [tilespmem:v18+s8+$0x0], $0xffff;
	v19 =	vadd.f32 $5.625000000e-01, v19;
	v14 =	vmul.f32 v14, v13  }
0x4b: {  	v20 =	vld.idx.msk [tilespmem:v20+s8+$0x0], $0xffff;
	v18 =	vadd.s32 $0x3, v18;
	v15 =	vadd.f32 $6.250000000e-02, v15;
	v25 =	vadd.f32 $-1.687500000e+00, v25  }
0x4c: {  	v41 =	vadd.f32 $5.625000000e-01, v10;
	v32 =	vld.idx.msk [tilespmem:v16+s8+$0x0], $0xffff;
	v16 =	vmul.f32 v19, v13;
	v19 =	vadd.s32 $0x2, v23  }
0x4d: {  	v35 =	vld.idx.msk [tilespmem:v23+s8+$0x0], $0xffff;
	v14 =	vadd.f32 $1.687500000e+00, v14;
	v15 =	vmul.f32 v15, v13;
	v25 =	vmul.f32 v25, v13  }
0x4e: {  	v42 =	vadd.f32 $-6.250000000e-02, v11;
	v23 =	vadd.s32 $0x3, v23;
	v37 =	vadd.f32 $-6.250000000e-02, v16;
	v26 =	vld.idx.msk [tilespmem:v26+s8+$0x0], $0xffff  }
0x4f: {  	v31 =	vld.idx.msk [tilespmem:v31+s8+$0x0], $0xffff;
	v36 =	vmul.f32 v14, v13;
	v49 =	vadd.f32 $-6.250000000e-02, v15;
	v50 =	vadd.f32 $5.625000000e-01, v25  }
0x50: {  	v27 =	vadd.s32 $0x3, v27;
	v22 =	vadd.s32 $0x3, v22;
	v13 =	vmul.f32 v37, v13;
	v25 =	vld.idx.msk [tilespmem:v18+s8+$0x0], $0xffff  }
0x51: {  	v54 =	vld.idx.msk [tilespmem:v38+s8+$0x0], $0xffff;
	v51 =	vadd.f32 $5.625000000e-01, v36;
	v18 =	vmul.f32 v21, v49;
	v20 =	vmul.f32 v20, v50  }
0x52: {  	v11 =	vadd.f32 $-6.250000000e-02, v12;
	v53 =	vadd.f32 $-6.250000000e-02, v13;
	v21 =	vld.idx.msk [tilespmem:v19+s8+$0x0], $0xffff;
	v19 =	vmul.f32 v24, v17  }
0x53: {  	v24 =	vmul.f32 v29, v17;
	v29 =	vld.idx.msk [tilespmem:v34+s8+$0x0], $0xffff;
	v13 =	vadd.f32 v20, v18;
	v20 =	vmul.f32 v26, v51  }
0x54: {  	v55 =	vadd.f32 $5.625000000e-01, v28;
	v28 =	vmul.f32 v35, v7;
	v23 =	vld.idx.msk [tilespmem:v23+s8+$0x0], $0xffff;
	v32 =	vmul.f32 v32, v40  }
0x55: {  	v26 =	vmul.f32 v30, v48;
	v30 =	vld.idx.msk [tilespmem:v52+s8+$0x0], $0xffff;
	v25 =	vmul.f32 v25, v53;
	v13 =	vadd.f32 v20, v13  }
0x56: {  	v27 =	vld.idx.msk [tilespmem:v27+s8+$0x0], $0xffff;
	v33 =	vmul.f32 v33, v11;
	v31 =	vmul.f32 v31, v5;
	v28 =	vadd.f32 v32, v28  }
0x57: {  	v22 =	vld.idx.msk [tilespmem:v22+s8+$0x0], $0xffff;
	v19 =	vadd.f32 $5.625000000e-01, v19;
	v21 =	vmul.f32 v21, v41;
	v13 =	vadd.f32 v25, v13  }
0x58: {  	v20 =	vadd.f32 $-6.250000000e-02, v24;
	v24 =	vmul.f32 v29, v55;
	v25 =	vmul.f32 v54, v4  }
0x59: {  	v23 =	vmul.f32 v23, v42;
	v29 =	vmul.f32 $1.920000000e+02, v13;
	v13 =	vadd.f32 v21, v28  }
0x5a: {  	v24 =	vadd.f32 v24, v33;
	v21 =	vmul.f32 v30, v19;
	v25 =	vadd.f32 v25, v26  }
0x5b: {  	v26 =	vmul.f32 v27, v20;
	v27 =	vmul.f32 $3.333333430e-01, v29;
	v13 =	vadd.f32 v23, v13  }
0x5c: {  	v22 =	vmul.f32 v22, v39;
	v21 =	vadd.f32 v21, v24;
	v23 =	vadd.f32 v31, v25  }
0x5d: {  	v24 =	vtrunc.f32 v27;
	v25 =	vmul.f32 $1.920000000e+02, v13  }
0x5e: {  	v21 =	vadd.f32 v26, v21;
	v22 =	vadd.f32 v22, v23;
	v13 =	vcvt.f32.s32 v24  }
0x5f: {  	v23 =	vmul.f32 $3.333333430e-01, v25  }
0x60: {  	v21 =	vmul.f32 $1.920000000e+02, v21;
	v22 =	vmul.f32 $1.920000000e+02, v22;
	vm13 =	vgt.s32 v13, $0x0  }
0x61: {  	v13 =	vnsel vm13, $0x0, v13;
	v23 =	vtrunc.f32 v23  }
0x62: {  	v24 =	vmul.f32 $3.333333430e-01, v21;
	v26 =	vmul.f32 $3.333333430e-01, v22;
	v13 =	vmin.u32 v13, $0x3F  }
0x63: {  	v23 =	vcvt.f32.s32 v23;
	v27 =	vmul.u32 $0x3, v13  }
0x64: {  	v13 =	vimm.f32 $0.0e+00;
	v24 =	vtrunc.f32 v24;
	v26 =	vtrunc.f32 v26  }
0x65: {  	vm14 =	vgt.s32 v23, $0x0;
	v26 =	vcvt.f32.s32 v26;
	v24 =	vcvt.f32.s32 v24  }
0x66: {  	v28 =	vcvt.s32.f32 v27;
	v30 =	vadd.s32 s1, v27;
	v23 =	vnsel vm14, $0x0, v23  }
0x67: {  	v27 =	vadd.s32 $0x3, v30;
	v23 =	vmin.u32 v23, $0x3F;
	vm15 =	vgt.s32 v26, $0x0  }
0x68: {  	vm1 =	vgt.s32 v24, $0x0;
	v56 =	vadd.s32 $0x1, v30;
	v26 =	vnsel vm15, $0x0, v26  }
0x69: {  	v57 =	vadd.s32 $0x2, v30;
	v23 =	vmul.u32 $0x3, v23;
	v26 =	vmin.u32 v26, $0x3F  }
0x6a: {  	v28 =	vadd.f32 $1.500000000e+00, v28;
	v24 =	vnsel vm1, $0x0, v24;
	v26 =	vmul.u32 $0x3, v26  }
0x6b: {  	v24 =	vmin.u32 v24, $0x3F;
	v58 =	vadd.s32 s1, v23;
	v23 =	vcvt.s32.f32 v23  }
0x6c: {  	v29 =	vsub.f32 v29, v28;
	v60 =	vmul.u32 $0x3, v24;
	v28 =	vcvt.s32.f32 v26  }
0x6d: {  	v59 =	vadd.s32 $0x3, v58;
	v31 =	vadd.s32 $0x1, v58;
	v23 =	vadd.f32 $1.500000000e+00, v23  }
0x6e: {  	v34 =	vadd.s32 $0x2, v58;
	v61 =	vadd.s32 s1, v26;
	v24 =	vld.idx.msk [tilespmem:v56+s9+$0x0], $0xffff;
	v26 =	vadd.f32 $1.500000000e+00, v28  }
0x6f: {  	v8 =	vmovc v7;
	v27 =	vld.idx.msk [tilespmem:v27+s9+$0x0], $0xffff;
	v63 =	vcvt.s32.f32 v60;
	v38 =	vadd.s32 s1, v60;
	v23 =	vsub.f32 v25, v23  }
0x70: {  	[tilespmem:$0x1FFA0] =	vst v0;
	v9 =	vmovc v40;
	v62 =	vadd.s32 $0x3, v61;
	v33 =	vadd.s32 $0x1, v61;
	v28 =	vld.idx.msk [tilespmem:v30+s9+$0x0], $0xffff;
	v22 =	vsub.f32 v22, v26  }
0x71: {  	[tilespmem:$0x1FFB0] =	vst v1;
	v10 =	vmovc v48;
	v14 =	vmovc v41;
	v35 =	vadd.s32 $0x2, v61;
	v25 =	vmul.f32 $6.666666860e-01, v29;
	v41 =	vld.idx.msk [tilespmem:v58+s9+$0x0], $0xffff;
	v30 =	vmul.f32 $6.666666860e-01, v23  }
0x72: {  	[tilespmem:$0x1FFC0] =	vst v2;
	v12 =	vmovc v5;
	v7 =	vmovc v39;
	v44 =	vadd.s32 $0x1, v38;
	v26 =	vld.idx.msk [tilespmem:v57+s9+$0x0], $0xffff;
	v23 =	vadd.f32 $1.500000000e+00, v63;
	v40 =	vmul.f32 $6.666666860e-01, v22  }
0x73: {  	[tilespmem:$0x1FFD0] =	vst v49;
	v36 =	vadd.s32 $0x3, v38;
	v43 =	vld.idx.msk [tilespmem:v59+s9+$0x0], $0xffff;
	v22 =	vmul.f32 v25, v25;
	v46 =	vmul.f32 v30, v30  }
0x74: {  	v15 =	vmovc v42;
	v45 =	vadd.s32 $0x2, v38;
	v42 =	vld.idx.msk [tilespmem:v61+s9+$0x0], $0xffff;
	v21 =	vsub.f32 v21, v23;
	v37 =	vmul.f32 v40, v40  }
0x75: {  	v16 =	vmovc v11;
	v11 =	vmovc v4;
	[tilespmem:$0x1FFE0] =	vst v50;
	v38 =	vld.idx.msk [tilespmem:v38+s9+$0x0], $0xffff;
	v23 =	vimm.f32 $0.0e+00;
	v29 =	vmul.f32 $5.625000000e-01, v22;
	v46 =	vmul.f32 $5.625000000e-01, v46  }
0x76: {  	s16 =	simm.s32 $0xC1;
	[tilespmem:$0x1FFF0] =	vst v51;
	v17 =	vmovc v55;
	v18 =	vmovc v53;
	v39 =	vld.idx.msk [tilespmem:v62+s9+$0x0], $0xffff;
	v32 =	vmul.f32 $6.666666860e-01, v21;
	v21 =	vimm.f32 $0.0e+00;
	v22 =	vimm.f32 $0.0e+00  }
.LBB2_2:
0x77: {  	_ =	sdelay $0x2  }
0x78: {  	v48 =	vld.idx.msk [tilespmem:v36+s9+$0x0], $0xffff  }
0x79: {  	v0 =	vld [tilespmem:$0x1FF90]  }
0x7a: {  	v61 =	vld [tilespmem:$0x1FFA0]  }
0x7b: {  	v45 =	vld.idx.msk [tilespmem:v45+s9+$0x0], $0xffff;
	v47 =	vmul.f32 $5.625000000e-01, v37;
	v36 =	vadd.f32 $-6.250000000e-02, v46  }
0x7c: {  	v62 =	vld [tilespmem:$0x1FFB0];
	v46 =	vsub.f32 $5.625000000e-01, v46;
	v50 =	vmul.f32 v32, v32  }
0x7d: {  	s17 =	smov.u32 s16;
	v34 =	vld.idx.msk [tilespmem:v34+s9+$0x0], $0xffff;
	v51 =	vadd.f32 $-6.250000000e-02, v47;
	v47 =	vsub.f32 $5.625000000e-01, v47;
	v52 =	vmul.f32 v36, v30  }
0x7e: {  	v63 =	vld [tilespmem:$0x1FFC0];
	v60 =	vmul.f32 $5.625000000e-01, v50;
	v30 =	vmul.f32 v46, v30;
	v50 =	vadd.s32 s17, v0  }
0x7f: {  	v31 =	vld.idx.msk [tilespmem:v31+s9+$0x0], $0xffff;
	v53 =	vadd.f32 v43, v41;
	v58 =	vsub.f32 v43, v41;
	v55 =	vadd.s32 s17, v61  }
0x80: {  	v33 =	vld.idx.msk [tilespmem:v33+s9+$0x0], $0xffff;
	v54 =	vadd.f32 v39, v42;
	v57 =	vadd.f32 $-6.250000000e-02, v60;
	v56 =	vadd.s32 $0x1, v50  }
0x81: {  	v35 =	vld.idx.msk [tilespmem:v35+s9+$0x0], $0xffff;
	v39 =	vsub.f32 v39, v42;
	v41 =	vmul.f32 v52, v58;
	v58 =	vadd.s32 s17, v62  }
0x82: {  	v43 =	vld.idx.msk [tilespmem:v44+s9+$0x0], $0xffff;
	v52 =	vsub.f32 v48, v38;
	v6 =	vadd.s32 $0x2, v50;
	v62 =	vmul.f32 v57, v32  }
0x83: {  	v44 =	vmul.f32 v51, v40;
	v59 =	vmul.f32 v47, v40;
	v2 =	vadd.s32 $0x1, v55;
	v4 =	vld.idx.msk [tilespmem:v50+s8+$0x0], $0xffff  }
0x84: {  	v42 =	vsub.f32 $5.625000000e-01, v60;
	v60 =	vadd.s32 $0x1, v58;
	v52 =	vmul.f32 v62, v52;
	v62 =	vld.idx.msk [tilespmem:v55+s8+$0x0], $0xffff  }
0x85: {  	v37 =	vsub.f32 v27, v28;
	v40 =	vmul.f32 $3.000000000e+00, v59;
	v59 =	vadd.s32 s17, v63;
	v56 =	vld.idx.msk [tilespmem:v56+s8+$0x0], $0xffff  }
0x86: {  	v49 =	vadd.f32 v26, v24;
	v27 =	vadd.f32 v27, v28;
	v39 =	vmul.f32 v44, v39;
	v44 =	vld.idx.msk [tilespmem:v58+s8+$0x0], $0xffff  }
0x87: {  	v30 =	vmul.f32 $3.000000000e+00, v30;
	v38 =	vadd.f32 v48, v38;
	v3 =	vadd.s32 $0x3, v58;
	v6 =	vld.idx.msk [tilespmem:v6+s8+$0x0], $0xffff  }
0x88: {  	v51 =	vmul.f32 v51, v54;
	v54 =	vadd.f32 $-6.250000000e-02, v29;
	v48 =	vadd.s32 $0x2, v58;
	v2 =	vld.idx.msk [tilespmem:v2+s8+$0x0], $0xffff  }
0x89: {  	v63 =	vadd.s32 $0x2, v55;
	v61 =	vadd.s32 $0x1, v59;
	v0 =	vadd.s32 $0x2, v59;
	v60 =	vld.idx.msk [tilespmem:v60+s8+$0x0], $0xffff  }
0x8a: {  	v5 =	vadd.s32 $0x3, v59;
	v38 =	vmul.f32 v57, v38;
	v27 =	vmul.f32 v54, v27;
	v57 =	vld.idx.msk [tilespmem:v59+s8+$0x0], $0xffff  }
0x8b: {  	v1 =	vadd.f32 v45, v43;
	v43 =	vsub.f32 v45, v43;
	v50 =	vadd.s32 $0x3, v50;
	v59 =	vld [tilespmem:$0x1FFD0]  }
0x8c: {  	v45 =	vsub.f32 v34, v31;
	v31 =	vadd.f32 v34, v31;
	v55 =	vadd.s32 $0x3, v55;
	v3 =	vld.idx.msk [tilespmem:v3+s8+$0x0], $0xffff  }
0x8d: {  	v1 =	vmul.f32 v42, v1;
	v58 =	vadd.f32 v35, v33;
	v33 =	vsub.f32 v35, v33;
	v28 =	vld.idx.msk [tilespmem:v48+s8+$0x0], $0xffff  }
0x8e: {  	v29 =	vsub.f32 $5.625000000e-01, v29;
	v31 =	vmul.f32 v46, v31;
	v30 =	vmul.f32 v30, v45;
	v48 =	vld [tilespmem:$0x1FFF0]  }
0x8f: {  	v39 =	vadd.f32 v39, v51;
	v5 =	vld.idx.msk [tilespmem:v5+s8+$0x0], $0xffff;
	v51 =	vmul.f32 v47, v58;
	v33 =	vmul.f32 v40, v33  }
0x90: {  	v38 =	vadd.f32 v52, v38;
	v58 =	vmul.f32 v54, v25;
	v25 =	vmul.f32 v29, v25;
	v34 =	vld.idx.msk [tilespmem:v50+s8+$0x0], $0xffff  }
0x91: {  	v47 =	vld.idx.msk [tilespmem:v55+s8+$0x0], $0xffff;
	v52 =	vadd.f32 v39, v51;
	v55 =	vmul.f32 v62, v10;
	v51 =	vmul.f32 v29, v49  }
0x92: {  	v50 =	vld [tilespmem:$0x1FFE0];
	v25 =	vmul.f32 $3.000000000e+00, v25;
	v2 =	vmul.f32 v2, v11  }
0x93: {  	v24 =	vsub.f32 v26, v24;
	v4 =	vmul.f32 v4, v59;
	v59 =	vmul.f32 v42, v32  }
0x94: {  	v33 =	vadd.f32 v52, v33;
	v6 =	vmul.f32 v6, v48;
	v52 =	vmul.f32 v60, v9  }
0x95: {  	v3 =	vmul.f32 v3, v15;
	v28 =	vmul.f32 v28, v14  }
0x96: {  	v62 =	vld.idx.msk [tilespmem:v61+s8+$0x0], $0xffff;
	v24 =	vmul.f32 v25, v24;
	v32 =	vmul.f32 $3.000000000e+00, v59  }
0x97: {  	v1 =	vadd.f32 v38, v1;
	v5 =	vmul.f32 v5, v20;
	v35 =	vmul.f32 v56, v50;
	v56 =	vld.idx.msk [tilespmem:v63+s8+$0x0], $0xffff  }
0x98: {  	v0 =	vld.idx.msk [tilespmem:v0+s8+$0x0], $0xffff;
	v2 =	vadd.f32 v2, v55;
	v59 =	vmul.f32 v44, v8;
	v32 =	vmul.f32 v32, v43  }
0x99: {  	v63 =	vmul.f32 v57, v16;
	v50 =	vmul.f32 v34, v18;
	v4 =	vadd.f32 v35, v4  }
0x9a: {  	v34 =	vadd.f32 v52, v59;
	v35 =	vmul.f32 v58, v37;
	v1 =	vadd.f32 v1, v32  }
0x9b: {  	v4 =	vadd.f32 v6, v4;
	v6 =	vmul.f32 v36, v53;
	v53 =	vmul.f32 v62, v17  }
0x9c: {  	v25 =	vadd.f32 v28, v34;
	v27 =	vadd.f32 v35, v27;
	v26 =	vmul.f32 v56, v12  }
0x9d: {  	v0 =	vmul.f32 v0, v19;
	v4 =	vadd.f32 v50, v4;
	v54 =	vadd.f32 v53, v63  }
0x9e: {  	v29 =	vmul.f32 v47, v7;
	v55 =	vadd.f32 v3, v25;
	v2 =	vadd.f32 v26, v2  }
0x9f: {  	v21 =	vadd.f32 v1, v21;
	v4 =	vmul.f32 $1.920000000e+02, v4;
	v0 =	vadd.f32 v0, v54  }
0xa0: {  	v6 =	vadd.f32 v41, v6;
	v1 =	vmul.f32 $1.920000000e+02, v55;
	v2 =	vadd.f32 v29, v2  }
0xa1: {  	v27 =	vadd.f32 v27, v51;
	v28 =	vmul.f32 $3.333333430e-01, v4;
	v0 =	vadd.f32 v5, v0  }
0xa2: {  	v6 =	vadd.f32 v6, v31;
	v5 =	vmul.f32 $3.333333430e-01, v1;
	v2 =	vmul.f32 $1.920000000e+02, v2  }
0xa3: {  	v24 =	vadd.f32 v27, v24;
	v56 =	vtrunc.f32 v28;
	v0 =	vmul.f32 $1.920000000e+02, v0  }
0xa4: {  	v6 =	vadd.f32 v6, v30;
	v5 =	vtrunc.f32 v5;
	v3 =	vcvt.f32.s32 v56  }
0xa5: {  	v22 =	vadd.f32 v24, v22;
	v24 =	vmul.f32 $3.333333430e-01, v2;
	v5 =	vcvt.f32.s32 v5  }
0xa6: {  	v13 =	vadd.f32 v33, v13;
	v23 =	vadd.f32 v6, v23;
	v6 =	vmul.f32 $3.333333430e-01, v0  }
0xa7: {  	vm0 =	vgt.s32 v3, $0x0;
	v24 =	vtrunc.f32 v24;
	vm14 =	vgt.s32 v5, $0x0  }
0xa8: {  	v3 =	vnsel vm0, $0x0, v3;
	v6 =	vtrunc.f32 v6;
	v24 =	vcvt.f32.s32 v24  }
0xa9: {  	v5 =	vnsel vm14, $0x0, v5;
	v3 =	vmin.u32 v3, $0x3F;
	v6 =	vcvt.f32.s32 v6  }
0xaa: {  	v5 =	vmin.u32 v5, $0x3F;
	v3 =	vmul.u32 $0x3, v3;
	vm1 =	vgt.s32 v24, $0x0  }
0xab: {  	v5 =	vmul.u32 $0x3, v5;
	vm15 =	vgt.s32 v6, $0x0;
	v24 =	vnsel vm1, $0x0, v24  }
0xac: {  	v25 =	vcvt.s32.f32 v3;
	v3 =	vadd.s32 s17, v3;
	v6 =	vnsel vm15, $0x0, v6  }
0xad: {  	v24 =	vmin.u32 v24, $0x3F;
	v57 =	vadd.s32 s17, v5;
	v5 =	vcvt.s32.f32 v5  }
0xae: {  	v26 =	vadd.s32 $0x3, v3;
	v27 =	vadd.s32 $0x1, v3;
	v29 =	vadd.s32 $0x2, v3  }
0xaf: {  	v24 =	vmul.u32 $0x3, v24;
	v6 =	vmin.u32 v6, $0x3F;
	v25 =	vadd.f32 $1.500000000e+00, v25  }
0xb0: {  	v58 =	vadd.s32 $0x3, v57;
	v5 =	vadd.f32 $1.500000000e+00, v5;
	v6 =	vmul.u32 $0x3, v6  }
0xb1: {  	v31 =	vadd.s32 $0x1, v57;
	v4 =	vsub.f32 v4, v25;
	v25 =	vcvt.s32.f32 v24;
	v28 =	vld.idx.msk [tilespmem:v3+s9+$0x0], $0xffff  }
0xb2: {  	v59 =	vadd.s32 s17, v24;
	v1 =	vsub.f32 v1, v5;
	v5 =	vcvt.s32.f32 v6;
	v41 =	vld.idx.msk [tilespmem:v57+s9+$0x0], $0xffff  }
0xb3: {  	v34 =	vadd.s32 $0x2, v57;
	v60 =	vadd.s32 $0x3, v59;
	v24 =	vld.idx.msk [tilespmem:v27+s9+$0x0], $0xffff;
	v25 =	vadd.f32 $1.500000000e+00, v25  }
0xb4: {  	p0 =	sne.s32 s16, $0x175F;
	v6 =	vadd.s32 s17, v6;
	v27 =	vld.idx.msk [tilespmem:v26+s9+$0x0], $0xffff;
	v30 =	vmul.f32 $6.666666860e-01, v1;
	v61 =	vadd.f32 $1.500000000e+00, v5  }
.Ltmp0:
0xb5: {  	v33 =	vadd.s32 $0x1, v59;
	v26 =	vld.idx.msk [tilespmem:v29+s9+$0x0], $0xffff;
	v2 =	vsub.f32 v2, v25;
	v25 =	vmul.f32 $6.666666860e-01, v4;
	(pc) =	sbr.rel @p0 .LBB2_2-.Ltmp0, $4  }
0xb6: {  	v35 =	vadd.s32 $0x2, v59;
	v43 =	vld.idx.msk [tilespmem:v58+s9+$0x0], $0xffff;
	v63 =	vmul.f32 v30, v30;
	v0 =	vsub.f32 v0, v61  }
0xb7: {  	v44 =	vadd.s32 $0x1, v6;
	v42 =	vld.idx.msk [tilespmem:v59+s9+$0x0], $0xffff;
	v40 =	vmul.f32 $6.666666860e-01, v2;
	v62 =	vmul.f32 v25, v25  }
0xb8: {  	v36 =	vadd.s32 $0x3, v6;
	v39 =	vld.idx.msk [tilespmem:v60+s9+$0x0], $0xffff;
	v46 =	vmul.f32 $5.625000000e-01, v63;
	v32 =	vmul.f32 $6.666666860e-01, v0  }
0xb9: {  	s16 =	sadd.s32 $0xC1, s16;
	v45 =	vadd.s32 $0x2, v6;
	v38 =	vld.idx.msk [tilespmem:v6+s9+$0x0], $0xffff;
	v37 =	vmul.f32 v40, v40;
	v29 =	vmul.f32 $5.625000000e-01, v62  }
0xba: {  	v2 =	vsub.f32 v27, v28  }
0xbb: {  	v5 =	vadd.f32 v26, v24;
	v6 =	vadd.f32 $-6.250000000e-02, v46  }
0xbc: {  	v8 =	vsub.f32 $5.625000000e-01, v46;
	v53 =	vadd.f32 v27, v28  }
0xbd: {  	v3 =	vmul.f32 v32, v32;
	v58 =	vsub.f32 v26, v24;
	v11 =	vsub.f32 v43, v41  }
0xbe: {  	v0 =	vld.idx.msk [tilespmem:v36+s9+$0x0], $0xffff;
	v1 =	vmul.f32 $5.625000000e-01, v37;
	v14 =	vadd.f32 v43, v41;
	v47 =	vadd.f32 $-6.250000000e-02, v29  }
0xbf: {  	v4 =	vld.idx.msk [tilespmem:v44+s9+$0x0], $0xffff;
	v55 =	vsub.f32 $5.625000000e-01, v29;
	v3 =	vmul.f32 $5.625000000e-01, v3;
	v10 =	vmul.f32 v6, v30  }
0xc0: {  	v7 =	vld.idx.msk [tilespmem:v45+s9+$0x0], $0xffff;
	v49 =	vmul.f32 v8, v30;
	v9 =	vadd.f32 $-6.250000000e-02, v1;
	v1 =	vsub.f32 $5.625000000e-01, v1  }
0xc1: {  	v12 =	vld.idx.msk [tilespmem:v34+s9+$0x0], $0xffff;
	v44 =	vadd.f32 v39, v42;
	v54 =	vmul.f32 v47, v25;
	v6 =	vmul.f32 v6, v14  }
0xc2: {  	v17 =	vld.idx.msk [tilespmem:v31+s9+$0x0], $0xffff;
	v45 =	vsub.f32 v39, v42;
	v57 =	vmul.f32 v55, v25;
	v5 =	vmul.f32 v55, v5  }
0xc3: {  	v19 =	vld.idx.msk [tilespmem:v33+s9+$0x0], $0xffff;
	v16 =	vadd.f32 $-6.250000000e-02, v3;
	v10 =	vmul.f32 v10, v11;
	v3 =	vsub.f32 $5.625000000e-01, v3  }
0xc4: {  	v41 =	vld.idx.msk [tilespmem:v35+s9+$0x0], $0xffff;
	v15 =	vmul.f32 v9, v40;
	v18 =	vmul.f32 v1, v40;
	v40 =	vsub.f32 v0, v38  }
0xc5: {  	v52 =	vmul.f32 $3.000000000e+00, v49;
	v43 =	vadd.f32 v7, v4;
	v0 =	vadd.f32 v0, v38  }
0xc6: {  	v9 =	vmul.f32 v9, v44;
	v4 =	vsub.f32 v7, v4;
	v2 =	vmul.f32 v54, v2  }
0xc7: {  	v48 =	vsub.f32 v12, v17;
	v59 =	vmul.f32 $3.000000000e+00, v57;
	v20 =	vmul.f32 v16, v32  }
0xc8: {  	v12 =	vadd.f32 v12, v17;
	v18 =	vmul.f32 $3.000000000e+00, v18;
	v46 =	vmul.f32 v3, v43  }
0xc9: {  	v50 =	vadd.f32 v41, v19;
	v0 =	vmul.f32 v16, v0;
	v15 =	vmul.f32 v15, v45  }
0xca: {  	v51 =	vsub.f32 v41, v19;
	v3 =	vmul.f32 v3, v32;
	v11 =	vmul.f32 v20, v40  }
0xcb: {  	v6 =	vadd.f32 v10, v6;
	v8 =	vmul.f32 v8, v12;
	v1 =	vmul.f32 v1, v50  }
0xcc: {  	v9 =	vadd.f32 v15, v9;
	v0 =	vadd.f32 v11, v0;
	v11 =	vmul.f32 v47, v53  }
0xcd: {  	v7 =	vmul.f32 v52, v48;
	v3 =	vmul.f32 $3.000000000e+00, v3;
	v6 =	vadd.f32 v6, v8  }
0xce: {  	v56 =	vmul.f32 v18, v51;
	v1 =	vadd.f32 v9, v1;
	v2 =	vadd.f32 v2, v11  }
0xcf: {  	v3 =	vmul.f32 v3, v4;
	v61 =	vadd.f32 v6, v7;
	v0 =	vadd.f32 v0, v46  }
0xd0: {  	v60 =	vmul.f32 v59, v58;
	v1 =	vadd.f32 v1, v56;
	v2 =	vadd.f32 v2, v5  }
0xd1: {  	v62 =	vadd.f32 v61, v23;
	v0 =	vadd.f32 v0, v3  }
0xd2: {  	v1 =	vadd.f32 v1, v13;
	v2 =	vadd.f32 v2, v60  }
0xd3: {  	[tilespmem:$0x3190] =	vst v62;
	v0 =	vadd.f32 v0, v21  }
0xd4: {  	s15 =	sadd.s32 $0x1, s15;
	[tilespmem:$0x3180] =	vst v1;
	v63 =	vadd.f32 v2, v22  }
0xd5: {  	p0 =	sne.s32 s15, s7;
	[tilespmem:$0x31A0] =	vst v0  }
.Ltmp1:
0xd6: {  	[tilespmem:$0x31B0] =	vst v63;
	(pc) =	sbr.rel @p0 .LBB2_1-.Ltmp1, $4  }
0xd7: {  	[hbm4b:s6+s1] =	stream.linear.scatter [tilespmem:s13], [sflag:$0x4], $0x40, $0x38;
	[tilespmem:$0x3200] =	vst v63  }
0xd8: {  	_ =	swait.ge [sflag:s14], $0x40  }
0xd9: {  	[sflag:s14] =	ssyncset.done $0x0  }
0xda: {  	[sflag:s14] =	ssyncadd.s32 $0xFFFFFFC0  }
0xdb: {  	_ =	sfence.sel $0x180000  }
0xdc: {  	[bflag:$0x0] =	sbarrier.arrive $0xFFFF  }
0xdd: {  	p0 =	sne.s32 s2, $0x0;
	_ =	strace $0x90000047  }
0xde: {  	s0 =	sadd.s32 @!p0 $0x100000, s0;
	[bflag:$0x2] =	sbarrier.arrive $0xFFFF  }
0xdf: {  	[sflag:s0] =	ssyncadd.tile.s32 @!p0 $0x1;
	_ =	shalt  }
.Lfunc_end2:
_tile_overlayer_lowered:
.L_overlay_start_2:
0xe0: {  	(tag) =	ssettag $0x2  }
0xe1: {  	s0 =	rddreg [dreg:$0x0];
	s2 =	stileid.u32  }
0xe2: {  	s1 =	rddreg [dreg:$0x1];
	p0 =	sne.s32 s2, $0x0  }
0xe3: {  	s3 =	rddreg [dreg:$0x2];
	[bflag:$0x3] =	sbarrier.arrive $0xFFFF;
	s2 =	simm.s32 @!p0 $0x1C04  }
0xe4: {  	[timem:s3], [sflag:s2] =	dma.local @!p0 [hbm:s0], s1  }
0xe5: {  	s0 =	simm.s32 @!p0 $0x4  }
0xe6: {  	_ =	swait.ge @!p0 [sflag:s0], s1  }
0xe7: {  	s1 =	ssub.s32 @!p0 $0x0, s1;
	[sflag:s0] =	ssyncset.done @!p0 $0x0  }
0xe8: {  	[sflag:s0] =	ssyncadd.s32 @!p0 s1  }
0xe9: {  	[bflag:$0x3] =	sbarrier.arrive $0xFFFF  }
0xea: {  	_ =	shalt  }

</sc_bundles>
